<compile_context>
chip_gen: v7x
topology: tpu7x:2x2x1
jax: 0.10.2.dev20260603
libtpu: 0.0.44.dev20260713+nightly
codegen_flags: <defaults>
</compile_context>

<pallas_src>
import functools

import jax
import jax.numpy as jnp
from jax import lax
from jax.experimental import pallas as pl
from jax.experimental.pallas import tpu as pltpu
from jax.experimental.pallas import tpu_sc as plsc

B, L, EMB = 4096, 200, 128
H1, H2, OUT = 512, 256, 2
VOCAB = 100000
NC, NS = 2, 16
NW = NC * NS
BPW = B // NW
LCA, LCB = 104, 96
EMBW = EMB // 2
NVW = EMBW // 16


def _make_pool_kernel():
    mesh = plsc.VectorSubcoreMesh(core_axis_name="c", subcore_axis_name="s")

    @functools.partial(
        pl.kernel,
        mesh=mesh,
        out_type=jax.ShapeDtypeStruct((B, EMB), jnp.float32),
        compiler_params=pltpu.CompilerParams(use_tc_tiling_on_sc=False),
        scratch_types=[
            pltpu.VMEM((BPW * L,), jnp.int32),
            pltpu.VMEM((LCA, EMBW), jnp.int32),
            pltpu.VMEM((LCB, EMBW), jnp.int32),
            pltpu.VMEM((LCA, EMBW), jnp.int32),
            pltpu.VMEM((LCB, EMBW), jnp.int32),
            pltpu.VMEM((BPW, EMB), jnp.float32),
            pltpu.SemaphoreType.DMA,
            pltpu.SemaphoreType.DMA,
            pltpu.SemaphoreType.DMA,
            pltpu.SemaphoreType.DMA,
        ],
    )
    def pool(emb_hbm, xr_hbm, out_hbm, idx_v,
             bufa0, bufb0, bufa1, bufb1, out_v, sa0, sb0, sa1, sb1):
        wid = lax.axis_index("s") * NC + lax.axis_index("c")
        base = wid * BPW
        pltpu.sync_copy(xr_hbm.at[pl.ds(base * L, BPW * L)], idx_v)

        bufs = ((bufa0, bufb0, sa0, sb0), (bufa1, bufb1, sa1, sb1))
        himask = jnp.full((16,), -65536, jnp.int32)

        def start(i, s):
            bufa, bufb, sema, semb = bufs[s]
            pltpu.async_copy(
                emb_hbm.at[idx_v.at[pl.ds(i * L, LCA)]], bufa, sema)
            pltpu.async_copy(
                emb_hbm.at[idx_v.at[pl.ds(i * L + LCA, LCB)]], bufb, semb)

        def finish(i, s):
            bufa, bufb, sema, semb = bufs[s]
            pltpu.make_async_copy(
                emb_hbm.at[idx_v.at[pl.ds(i * L, LCA)]], bufa, sema).wait()
            pltpu.make_async_copy(
                emb_hbm.at[idx_v.at[pl.ds(i * L + LCA, LCB)]], bufb,
                semb).wait()

            def expand_add(buf, r, acc):
                acc = list(acc)
                for c in range(NVW):
                    w = buf[r, pl.ds(c * 16, 16)]
                    lo = lax.bitcast_convert_type(
                        jnp.left_shift(w, 16), jnp.float32)
                    hi = lax.bitcast_convert_type(
                        jnp.bitwise_and(w, himask), jnp.float32)
                    acc[c] = acc[c] + lo
                    acc[NVW + c] = acc[NVW + c] + hi
                return tuple(acc)

            def red2(r, acc):
                return expand_add(bufb, r, expand_add(bufa, r, acc))

            def red1(r, acc):
                return expand_add(bufa, r, acc)

            acc = tuple(jnp.zeros((16,), jnp.float32) for _ in range(2 * NVW))
            acc = lax.fori_loop(0, LCB, red2, acc)
            acc = lax.fori_loop(LCB, LCA, red1, acc)
            for c in range(NVW):
                out_v[i, pl.ds(16 * c, 16)] = acc[c]
                out_v[i, pl.ds(64 + 16 * c, 16)] = acc[NVW + c]

        start(0, 0)

        def pair(p, carry):
            i = 2 * p
            start(i + 1, 1)
            finish(i, 0)

            @pl.when(p < BPW // 2 - 1)
            def _():
                start(i + 2, 0)

            finish(i + 1, 1)
            return carry

        lax.fori_loop(0, BPW // 2, pair, 0)
        pltpu.sync_copy(out_v, out_hbm.at[pl.ds(base, BPW)])

    return pool


_pool = _make_pool_kernel()


def _pack_table(emb):
    R = 5000
    HV = VOCAB // 2

    def body(a_ref, b_ref, o_ref):
        rnd = jnp.uint32(0x8000)
        himask = jnp.uint32(0xFFFF0000)

        def pack(x):
            u = lax.bitcast_convert_type(x, jnp.uint32) + rnd
            lo = jnp.right_shift(u[:, :EMBW], 16)
            hi = jnp.bitwise_and(u[:, EMBW:], himask)
            return lax.bitcast_convert_type(jnp.bitwise_or(lo, hi),
                                            jnp.int32)

        o_ref[:, :EMBW] = pack(a_ref[...])
        o_ref[:, EMBW:] = pack(b_ref[...])

    return pl.pallas_call(
        body,
        grid=(HV // R,),
        in_specs=[
            pl.BlockSpec((R, EMB), lambda i: (i, 0)),
            pl.BlockSpec((R, EMB), lambda i: (i + HV // R, 0)),
        ],
        out_specs=pl.BlockSpec((R, EMB), lambda i: (i, 0)),
        out_shape=jax.ShapeDtypeStruct((HV, EMB), jnp.int32),
    )(emb, emb)


def _mlp(x, W1, b1, W2, b2, W3, b3):
    BT = 512

    def body(x_ref, w1_ref, b1_ref, w2_ref, b2_ref, w3_ref, b3_ref, o_ref):
        bf = jnp.bfloat16

        def dot(a, b):
            return lax.dot_general(a.astype(bf), b.astype(bf),
                                   (((1,), (1,)), ((), ())),
                                   preferred_element_type=jnp.float32)

        h = x_ref[...] * (1.0 / L)
        h = dot(h, w1_ref[...]) + b1_ref[...]
        h = jnp.maximum(h, 0.0)
        h = dot(h, w2_ref[...]) + b2_ref[...]
        h = jnp.maximum(h, 0.0)
        h = dot(h, w3_ref[...]) + b3_ref[...]
        o_ref[...] = h

    return pl.pallas_call(
        body,
        grid=(B // BT,),
        in_specs=[
            pl.BlockSpec((BT, EMB), lambda i: (i, 0)),
            pl.BlockSpec((H1, EMB), lambda i: (0, 0)),
            pl.BlockSpec((1, H1), lambda i: (0, 0)),
            pl.BlockSpec((H2, H1), lambda i: (0, 0)),
            pl.BlockSpec((1, H2), lambda i: (0, 0)),
            pl.BlockSpec((OUT, H2), lambda i: (0, 0)),
            pl.BlockSpec((1, OUT), lambda i: (0, 0)),
        ],
        out_specs=pl.BlockSpec((BT, OUT), lambda i: (i, 0)),
        out_shape=jax.ShapeDtypeStruct((B, OUT), jnp.float32),
    )(x, W1, b1, W2, b2, W3, b3)


def kernel(X, emb, W1, b1, W2, b2, W3, b3):
    Xi = X.astype(jnp.int32)
    xr = jnp.where(Xi < VOCAB // 2, 2 * Xi, 2 * Xi - (VOCAB - 1))
    xr = xr.reshape(B * L)
    emb_w = _pack_table(emb).reshape(VOCAB, EMBW)
    pooled = _pool(emb_w, xr)
    return _mlp(pooled, W1, b1.reshape(1, H1), W2, b2.reshape(1, H2),
                W3, b3.reshape(1, OUT))

# --- scband reference (transcript-rebuilt; emitter-appended) ---
"""Pipeline reference for scband-torch-dan-77498389889809 (READ-ONLY COPY).

The authoritative reference and input builder live on the scoring server;
editing this copy changes nothing except your own understanding.
"""

import jax, jax.numpy as jnp
import numpy as np

VOCAB, EMB, H1, H2, OUT = 100000, 128, 512, 256, 2
B, L = 4096, 200

def setup_inputs(seed: int = 0) -> dict:
    key = jax.random.key(seed)
    ks = jax.random.split(key, 8)
    X = jax.random.randint(ks[0], (B, L), 0, VOCAB, dtype=jnp.int64)
    emb = jax.random.normal(ks[1], (VOCAB, EMB), dtype=jnp.float32)
    W1 = jax.random.normal(ks[2], (H1, EMB), dtype=jnp.float32) * (1.0 / np.sqrt(EMB))
    b1 = jnp.zeros((H1,), dtype=jnp.float32)
    W2 = jax.random.normal(ks[3], (H2, H1), dtype=jnp.float32) * (1.0 / np.sqrt(H1))
    b2 = jnp.zeros((H2,), dtype=jnp.float32)
    W3 = jax.random.normal(ks[4], (OUT, H2), dtype=jnp.float32) * (1.0 / np.sqrt(H2))
    b3 = jnp.zeros((OUT,), dtype=jnp.float32)
    return {"X": X, "emb": emb, "W1": W1, "b1": b1, "W2": W2, "b2": b2, "W3": W3, "b3": b3}

def reference(X, emb, W1, b1, W2, b2, W3, b3):
    h = jnp.take(emb, X, axis=0)          # [B, L, EMB] gather
    h = h.mean(axis=1)                    # [B, EMB]
    h = h @ W1.T + b1                     # linear1
    h = jax.nn.relu(h) @ W2.T + b2        # linear2(relu(h))
    h = jax.nn.relu(h) @ W3.T + b3        # linear3(relu(h))
    return h

if __name__ == "__main__":
    import jax
    _d = setup_inputs()
    print(jax.jit(kernel)(*tuple(_d.values())))

</pallas_src>

<mosaic_0001>
#map = affine_map<(d0, d1) -> (0, 0)>
#map1 = affine_map<(d0, d1) -> (0)>
module attributes {stable_mosaic.version = 14 : i64} {
  func.func @pool(%arg0: i32, %arg1: i32, %arg2: memref<100000x64xi32, #tpu.memory_space<hbm>>, %arg3: memref<819200xi32, #tpu.memory_space<hbm>>, %arg4: memref<4096x128xf32, #tpu.memory_space<hbm>>, %arg5: memref<25600xi32, #tpu.memory_space<vmem>>, %arg6: memref<104x64xi32, #tpu.memory_space<vmem>>, %arg7: memref<96x64xi32, #tpu.memory_space<vmem>>, %arg8: memref<104x64xi32, #tpu.memory_space<vmem>>, %arg9: memref<96x64xi32, #tpu.memory_space<vmem>>, %arg10: memref<128x128xf32, #tpu.memory_space<vmem>>, %arg11: memref<!tpu.dma_semaphore, #tpu.memory_space<semaphore_mem>>, %arg12: memref<!tpu.dma_semaphore, #tpu.memory_space<semaphore_mem>>, %arg13: memref<!tpu.dma_semaphore, #tpu.memory_space<semaphore_mem>>, %arg14: memref<!tpu.dma_semaphore, #tpu.memory_space<semaphore_mem>>) attributes {dimension_semantics = [#tpu.dimension_semantics<core_parallel>, #tpu.dimension_semantics<subcore_parallel>], iteration_bounds = array<i64: 2, 16>, scalar_prefetch = 0 : i64, scratch_operands = 10 : i64, tpu.core_type = #tpu.core_type<sc_vector_subcore>, window_params = [{transform_indices = #map}, {transform_indices = #map1}, {transform_indices = #map}]} {
    %mul3A = arith.constant 2 : i32
    %mul3A_0 = arith.muli %arg1, %mul3A : i32
    %add3A = arith.addi %mul3A_0, %arg0 : i32
    %mul3A_1 = arith.constant 128 : i32
    %mul3A_2 = arith.muli %add3A, %mul3A_1 : i32
    %mul3A_3 = arith.constant 200 : i32
    %mul3A_4 = arith.muli %mul3A_2, %mul3A_3 : i32
    "tpu.region"() ({
      %run_scoped3A = tpu.sem_alloc : memref<!tpu.dma_semaphore, #tpu.memory_space<semaphore_mem>>
      %dma_start3A_20 = tpu.memref_slice %arg3[%mul3A_4] : memref<819200xi32, #tpu.memory_space<hbm>> -> memref<25600xi32, #tpu.memory_space<hbm>>
      %dma_start3A_21 = tpu.memref_slice %arg3[%mul3A_4] : memref<819200xi32, #tpu.memory_space<hbm>> -> memref<25600xi32, #tpu.memory_space<hbm>>
      tpu.enqueue_dma source(%dma_start3A_21 : memref<25600xi32, #tpu.memory_space<hbm>>) target(%arg5 : memref<25600xi32, #tpu.memory_space<vmem>>) target_semaphore(%run_scoped3A : memref<!tpu.dma_semaphore, #tpu.memory_space<semaphore_mem>>)
      %dma_wait3A = tpu.memref_slice %arg3[%mul3A_4] : memref<819200xi32, #tpu.memory_space<hbm>> -> memref<25600xi32, #tpu.memory_space<hbm>>
      %dma_wait3A_22 = tpu.memref_slice %arg3[%mul3A_4] : memref<819200xi32, #tpu.memory_space<hbm>> -> memref<25600xi32, #tpu.memory_space<hbm>>
      tpu.wait_dma2 semaphore(%run_scoped3A : memref<!tpu.dma_semaphore, #tpu.memory_space<semaphore_mem>>) src(%dma_wait3A_22 : memref<25600xi32, #tpu.memory_space<hbm>>) dst(%arg5 : memref<25600xi32, #tpu.memory_space<vmem>>)
      tpu.yield
    }) : () -> ()
    %broadcast_in_dim3A = arith.constant -65536 : i32
    %broadcast_in_dim3A_5 = vector.broadcast %broadcast_in_dim3A : i32 to vector<16xi32>
    %dma_start3A = arith.constant 0 : i32
    %dma_start3A_6 = tpu.memref_slice %arg5[%dma_start3A] : memref<25600xi32, #tpu.memory_space<vmem>> -> memref<104xi32, #tpu.memory_space<vmem>>
    %dma_start3A_7 = arith.constant 0 : i32
    %dma_start3A_8 = arith.constant 0 : i32
    %dma_start3A_9 = tpu.memref_slice %arg2[%dma_start3A_7, %dma_start3A_8] : memref<100000x64xi32, #tpu.memory_space<hbm>> -> memref<100000x64xi32, #tpu.memory_space<hbm>>
    tpu.enqueue_indirect_dma source(%dma_start3A_9 : memref<100000x64xi32, #tpu.memory_space<hbm>>) target(%arg6 : memref<104x64xi32, #tpu.memory_space<vmem>>) offsets(%dma_start3A_6 : memref<104xi32, #tpu.memory_space<vmem>>) semaphore(%arg11 : memref<!tpu.dma_semaphore, #tpu.memory_space<semaphore_mem>>)
    %dma_start3A_10 = arith.constant 104 : i32
    %dma_start3A_11 = tpu.memref_slice %arg5[%dma_start3A_10] : memref<25600xi32, #tpu.memory_space<vmem>> -> memref<96xi32, #tpu.memory_space<vmem>>
    %dma_start3A_12 = arith.constant 0 : i32
    %dma_start3A_13 = arith.constant 0 : i32
    %dma_start3A_14 = tpu.memref_slice %arg2[%dma_start3A_12, %dma_start3A_13] : memref<100000x64xi32, #tpu.memory_space<hbm>> -> memref<100000x64xi32, #tpu.memory_space<hbm>>
    tpu.enqueue_indirect_dma source(%dma_start3A_14 : memref<100000x64xi32, #tpu.memory_space<hbm>>) target(%arg7 : memref<96x64xi32, #tpu.memory_space<vmem>>) offsets(%dma_start3A_11 : memref<96xi32, #tpu.memory_space<vmem>>) semaphore(%arg12 : memref<!tpu.dma_semaphore, #tpu.memory_space<semaphore_mem>>)
    %scan3A = arith.constant 0 : i32
    %scan3A_15 = arith.constant 0 : i32
    %scan3A_16 = arith.constant 64 : i32
    %scan3A_17 = arith.addi %scan3A_15, %scan3A_16 : i32
    %scan3A_18 = arith.constant 1 : i32
    scf.for %scan3A_20 = %scan3A_15 to %scan3A_17 step %scan3A_18  : i32 {
      %mul3A_21 = arith.constant 2 : i32
      %mul3A_22 = arith.muli %mul3A_21, %scan3A_20 : i32
      %add3A_23 = arith.constant 1 : i32
      %add3A_24 = arith.addi %mul3A_22, %add3A_23 : i32
      %mul3A_25 = arith.constant 200 : i32
      %mul3A_26 = arith.muli %add3A_24, %mul3A_25 : i32
      %dma_start3A_27 = tpu.memref_slice %arg5[%mul3A_26] : memref<25600xi32, #tpu.memory_space<vmem>> -> memref<104xi32, #tpu.memory_space<vmem>>
      %dma_start3A_28 = arith.constant 0 : i32
      %dma_start3A_29 = arith.constant 0 : i32
      %dma_start3A_30 = tpu.memref_slice %arg2[%dma_start3A_28, %dma_start3A_29] : memref<100000x64xi32, #tpu.memory_space<hbm>> -> memref<100000x64xi32, #tpu.memory_space<hbm>>
      tpu.enqueue_indirect_dma source(%dma_start3A_30 : memref<100000x64xi32, #tpu.memory_space<hbm>>) target(%arg8 : memref<104x64xi32, #tpu.memory_space<vmem>>) offsets(%dma_start3A_27 : memref<104xi32, #tpu.memory_space<vmem>>) semaphore(%arg13 : memref<!tpu.dma_semaphore, #tpu.memory_space<semaphore_mem>>)
      %mul3A_31 = arith.constant 200 : i32
      %mul3A_32 = arith.muli %add3A_24, %mul3A_31 : i32
      %add3A_33 = arith.constant 104 : i32
      %add3A_34 = arith.addi %mul3A_32, %add3A_33 : i32
      %dma_start3A_35 = tpu.memref_slice %arg5[%add3A_34] : memref<25600xi32, #tpu.memory_space<vmem>> -> memref<96xi32, #tpu.memory_space<vmem>>
      %dma_start3A_36 = arith.constant 0 : i32
      %dma_start3A_37 = arith.constant 0 : i32
      %dma_start3A_38 = tpu.memref_slice %arg2[%dma_start3A_36, %dma_start3A_37] : memref<100000x64xi32, #tpu.memory_space<hbm>> -> memref<100000x64xi32, #tpu.memory_space<hbm>>
      tpu.enqueue_indirect_dma source(%dma_start3A_38 : memref<100000x64xi32, #tpu.memory_space<hbm>>) target(%arg9 : memref<96x64xi32, #tpu.memory_space<vmem>>) offsets(%dma_start3A_35 : memref<96xi32, #tpu.memory_space<vmem>>) semaphore(%arg14 : memref<!tpu.dma_semaphore, #tpu.memory_space<semaphore_mem>>)
      %mul3A_39 = arith.constant 200 : i32
      %mul3A_40 = arith.muli %mul3A_22, %mul3A_39 : i32
      %dma_wait3A = tpu.memref_slice %arg5[%mul3A_40] : memref<25600xi32, #tpu.memory_space<vmem>> -> memref<104xi32, #tpu.memory_space<vmem>>
      %dma_wait3A_41 = arith.constant 0 : i32
      %dma_wait3A_42 = arith.constant 0 : i32
      %dma_wait3A_43 = tpu.memref_slice %arg2[%dma_wait3A_41, %dma_wait3A_42] : memref<100000x64xi32, #tpu.memory_space<hbm>> -> memref<100000x64xi32, #tpu.memory_space<hbm>>
      tpu.wait_indirect_dma semaphore(%arg11 : memref<!tpu.dma_semaphore, #tpu.memory_space<semaphore_mem>>) src(%dma_wait3A_43 : memref<100000x64xi32, #tpu.memory_space<hbm>>) dst(%arg6 : memref<104x64xi32, #tpu.memory_space<vmem>>)
      %mul3A_44 = arith.constant 200 : i32
      %mul3A_45 = arith.muli %mul3A_22, %mul3A_44 : i32
      %add3A_46 = arith.constant 104 : i32
      %add3A_47 = arith.addi %mul3A_45, %add3A_46 : i32
      %dma_wait3A_48 = tpu.memref_slice %arg5[%add3A_47] : memref<25600xi32, #tpu.memory_space<vmem>> -> memref<96xi32, #tpu.memory_space<vmem>>
      %dma_wait3A_49 = arith.constant 0 : i32
      %dma_wait3A_50 = arith.constant 0 : i32
      %dma_wait3A_51 = tpu.memref_slice %arg2[%dma_wait3A_49, %dma_wait3A_50] : memref<100000x64xi32, #tpu.memory_space<hbm>> -> memref<100000x64xi32, #tpu.memory_space<hbm>>
      tpu.wait_indirect_dma semaphore(%arg12 : memref<!tpu.dma_semaphore, #tpu.memory_space<semaphore_mem>>) src(%dma_wait3A_51 : memref<100000x64xi32, #tpu.memory_space<hbm>>) dst(%arg7 : memref<96x64xi32, #tpu.memory_space<vmem>>)
      %broadcast_in_dim3A_52 = arith.constant 0.000000e+00 : f32
      %broadcast_in_dim3A_53 = vector.broadcast %broadcast_in_dim3A_52 : f32 to vector<16xf32>
      %broadcast_in_dim3A_54 = arith.constant 0.000000e+00 : f32
      %broadcast_in_dim3A_55 = vector.broadcast %broadcast_in_dim3A_54 : f32 to vector<16xf32>
      %broadcast_in_dim3A_56 = arith.constant 0.000000e+00 : f32
      %broadcast_in_dim3A_57 = vector.broadcast %broadcast_in_dim3A_56 : f32 to vector<16xf32>
      %broadcast_in_dim3A_58 = arith.constant 0.000000e+00 : f32
      %broadcast_in_dim3A_59 = vector.broadcast %broadcast_in_dim3A_58 : f32 to vector<16xf32>
      %broadcast_in_dim3A_60 = arith.constant 0.000000e+00 : f32
      %broadcast_in_dim3A_61 = vector.broadcast %broadcast_in_dim3A_60 : f32 to vector<16xf32>
      %broadcast_in_dim3A_62 = arith.constant 0.000000e+00 : f32
      %broadcast_in_dim3A_63 = vector.broadcast %broadcast_in_dim3A_62 : f32 to vector<16xf32>
      %broadcast_in_dim3A_64 = arith.constant 0.000000e+00 : f32
      %broadcast_in_dim3A_65 = vector.broadcast %broadcast_in_dim3A_64 : f32 to vector<16xf32>
      %broadcast_in_dim3A_66 = arith.constant 0.000000e+00 : f32
      %broadcast_in_dim3A_67 = vector.broadcast %broadcast_in_dim3A_66 : f32 to vector<16xf32>
      %scan3A_68 = arith.constant 0 : i32
      %scan3A_69 = arith.constant 96 : i32
      %scan3A_70 = arith.addi %scan3A_68, %scan3A_69 : i32
      %scan3A_71 = arith.constant 1 : i32
      %scan3A_72:8 = scf.for %scan3A_205 = %scan3A_68 to %scan3A_70 step %scan3A_71 iter_args(%scan3A_206 = %broadcast_in_dim3A_53, %scan3A_207 = %broadcast_in_dim3A_55, %scan3A_208 = %broadcast_in_dim3A_57, %scan3A_209 = %broadcast_in_dim3A_59, %scan3A_210 = %broadcast_in_dim3A_61, %scan3A_211 = %broadcast_in_dim3A_63, %scan3A_212 = %broadcast_in_dim3A_65, %scan3A_213 = %broadcast_in_dim3A_67) -> (vector<16xf32>, vector<16xf32>, vector<16xf32>, vector<16xf32>, vector<16xf32>, vector<16xf32>, vector<16xf32>, vector<16xf32>)  : i32 {
        %get3A = arith.index_cast %scan3A_205 : i32 to index
        %get3A_214 = arith.constant 0 : index
        %get3A_215 = tpu.vector_load %arg6[%get3A, %get3A_214] {strides = array<i32>} : memref<104x64xi32, #tpu.memory_space<vmem>>, vector<1x16xi32>,
        %get3A_216 = vector.shape_cast %get3A_215 : vector<1x16xi32> to vector<16xi32>
        %shift_left3A = arith.constant 16 : i32
        %shift_left3A_217 = vector.broadcast %shift_left3A : i32 to vector<16xi32>
        %shift_left3A_218 = arith.shli %get3A_216, %shift_left3A_217 : vector<16xi32>
        %bitcast_convert_type3A = tpu.bitcast %shift_left3A_218 : vector<16xi32> -> vector<16xf32>
        %and3A = arith.andi %get3A_216, %broadcast_in_dim3A_5 : vector<16xi32>
        %bitcast_convert_type3A_219 = tpu.bitcast %and3A : vector<16xi32> -> vector<16xf32>
        %add3A_220 = arith.addf %scan3A_206, %bitcast_convert_type3A : vector<16xf32>
        %add3A_221 = arith.addf %scan3A_210, %bitcast_convert_type3A_219 : vector<16xf32>
        %get3A_222 = arith.index_cast %scan3A_205 : i32 to index
        %get3A_223 = arith.constant 16 : index
        %get3A_224 = tpu.vector_load %arg6[%get3A_222, %get3A_223] {strides = array<i32>} : memref<104x64xi32, #tpu.memory_space<vmem>>, vector<1x16xi32>,
        %get3A_225 = vector.shape_cast %get3A_224 : vector<1x16xi32> to vector<16xi32>
        %shift_left3A_226 = arith.constant 16 : i32
        %shift_left3A_227 = vector.broadcast %shift_left3A_226 : i32 to vector<16xi32>
        %shift_left3A_228 = arith.shli %get3A_225, %shift_left3A_227 : vector<16xi32>
        %bitcast_convert_type3A_229 = tpu.bitcast %shift_left3A_228 : vector<16xi32> -> vector<16xf32>
        %and3A_230 = arith.andi %get3A_225, %broadcast_in_dim3A_5 : vector<16xi32>
        %bitcast_convert_type3A_231 = tpu.bitcast %and3A_230 : vector<16xi32> -> vector<16xf32>
        %add3A_232 = arith.addf %scan3A_207, %bitcast_convert_type3A_229 : vector<16xf32>
        %add3A_233 = arith.addf %scan3A_211, %bitcast_convert_type3A_231 : vector<16xf32>
        %get3A_234 = arith.index_cast %scan3A_205 : i32 to index
        %get3A_235 = arith.constant 32 : index
        %get3A_236 = tpu.vector_load %arg6[%get3A_234, %get3A_235] {strides = array<i32>} : memref<104x64xi32, #tpu.memory_space<vmem>>, vector<1x16xi32>,
        %get3A_237 = vector.shape_cast %get3A_236 : vector<1x16xi32> to vector<16xi32>
        %shift_left3A_238 = arith.constant 16 : i32
        %shift_left3A_239 = vector.broadcast %shift_left3A_238 : i32 to vector<16xi32>
        %shift_left3A_240 = arith.shli %get3A_237, %shift_left3A_239 : vector<16xi32>
        %bitcast_convert_type3A_241 = tpu.bitcast %shift_left3A_240 : vector<16xi32> -> vector<16xf32>
        %and3A_242 = arith.andi %get3A_237, %broadcast_in_dim3A_5 : vector<16xi32>
        %bitcast_convert_type3A_243 = tpu.bitcast %and3A_242 : vector<16xi32> -> vector<16xf32>
        %add3A_244 = arith.addf %scan3A_208, %bitcast_convert_type3A_241 : vector<16xf32>
        %add3A_245 = arith.addf %scan3A_212, %bitcast_convert_type3A_243 : vector<16xf32>
        %get3A_246 = arith.index_cast %scan3A_205 : i32 to index
        %get3A_247 = arith.constant 48 : index
        %get3A_248 = tpu.vector_load %arg6[%get3A_246, %get3A_247] {strides = array<i32>} : memref<104x64xi32, #tpu.memory_space<vmem>>, vector<1x16xi32>,
        %get3A_249 = vector.shape_cast %get3A_248 : vector<1x16xi32> to vector<16xi32>
        %shift_left3A_250 = arith.constant 16 : i32
        %shift_left3A_251 = vector.broadcast %shift_left3A_250 : i32 to vector<16xi32>
        %shift_left3A_252 = arith.shli %get3A_249, %shift_left3A_251 : vector<16xi32>
        %bitcast_convert_type3A_253 = tpu.bitcast %shift_left3A_252 : vector<16xi32> -> vector<16xf32>
        %and3A_254 = arith.andi %get3A_249, %broadcast_in_dim3A_5 : vector<16xi32>
        %bitcast_convert_type3A_255 = tpu.bitcast %and3A_254 : vector<16xi32> -> vector<16xf32>
        %add3A_256 = arith.addf %scan3A_209, %bitcast_convert_type3A_253 : vector<16xf32>
        %add3A_257 = arith.addf %scan3A_213, %bitcast_convert_type3A_255 : vector<16xf32>
        %get3A_258 = arith.index_cast %scan3A_205 : i32 to index
        %get3A_259 = arith.constant 0 : index
        %get3A_260 = tpu.vector_load %arg7[%get3A_258, %get3A_259] {strides = array<i32>} : memref<96x64xi32, #tpu.memory_space<vmem>>, vector<1x16xi32>,
        %get3A_261 = vector.shape_cast %get3A_260 : vector<1x16xi32> to vector<16xi32>
        %shift_left3A_262 = arith.constant 16 : i32
        %shift_left3A_263 = vector.broadcast %shift_left3A_262 : i32 to vector<16xi32>
        %shift_left3A_264 = arith.shli %get3A_261, %shift_left3A_263 : vector<16xi32>
        %bitcast_convert_type3A_265 = tpu.bitcast %shift_left3A_264 : vector<16xi32> -> vector<16xf32>
        %and3A_266 = arith.andi %get3A_261, %broadcast_in_dim3A_5 : vector<16xi32>
        %bitcast_convert_type3A_267 = tpu.bitcast %and3A_266 : vector<16xi32> -> vector<16xf32>
        %add3A_268 = arith.addf %add3A_220, %bitcast_convert_type3A_265 : vector<16xf32>
        %add3A_269 = arith.addf %add3A_221, %bitcast_convert_type3A_267 : vector<16xf32>
        %get3A_270 = arith.index_cast %scan3A_205 : i32 to index
        %get3A_271 = arith.constant 16 : index
        %get3A_272 = tpu.vector_load %arg7[%get3A_270, %get3A_271] {strides = array<i32>} : memref<96x64xi32, #tpu.memory_space<vmem>>, vector<1x16xi32>,
        %get3A_273 = vector.shape_cast %get3A_272 : vector<1x16xi32> to vector<16xi32>
        %shift_left3A_274 = arith.constant 16 : i32
        %shift_left3A_275 = vector.broadcast %shift_left3A_274 : i32 to vector<16xi32>
        %shift_left3A_276 = arith.shli %get3A_273, %shift_left3A_275 : vector<16xi32>
        %bitcast_convert_type3A_277 = tpu.bitcast %shift_left3A_276 : vector<16xi32> -> vector<16xf32>
        %and3A_278 = arith.andi %get3A_273, %broadcast_in_dim3A_5 : vector<16xi32>
        %bitcast_convert_type3A_279 = tpu.bitcast %and3A_278 : vector<16xi32> -> vector<16xf32>
        %add3A_280 = arith.addf %add3A_232, %bitcast_convert_type3A_277 : vector<16xf32>
        %add3A_281 = arith.addf %add3A_233, %bitcast_convert_type3A_279 : vector<16xf32>
        %get3A_282 = arith.index_cast %scan3A_205 : i32 to index
        %get3A_283 = arith.constant 32 : index
        %get3A_284 = tpu.vector_load %arg7[%get3A_282, %get3A_283] {strides = array<i32>} : memref<96x64xi32, #tpu.memory_space<vmem>>, vector<1x16xi32>,
        %get3A_285 = vector.shape_cast %get3A_284 : vector<1x16xi32> to vector<16xi32>
        %shift_left3A_286 = arith.constant 16 : i32
        %shift_left3A_287 = vector.broadcast %shift_left3A_286 : i32 to vector<16xi32>
        %shift_left3A_288 = arith.shli %get3A_285, %shift_left3A_287 : vector<16xi32>
        %bitcast_convert_type3A_289 = tpu.bitcast %shift_left3A_288 : vector<16xi32> -> vector<16xf32>
        %and3A_290 = arith.andi %get3A_285, %broadcast_in_dim3A_5 : vector<16xi32>
        %bitcast_convert_type3A_291 = tpu.bitcast %and3A_290 : vector<16xi32> -> vector<16xf32>
        %add3A_292 = arith.addf %add3A_244, %bitcast_convert_type3A_289 : vector<16xf32>
        %add3A_293 = arith.addf %add3A_245, %bitcast_convert_type3A_291 : vector<16xf32>
        %get3A_294 = arith.index_cast %scan3A_205 : i32 to index
        %get3A_295 = arith.constant 48 : index
        %get3A_296 = tpu.vector_load %arg7[%get3A_294, %get3A_295] {strides = array<i32>} : memref<96x64xi32, #tpu.memory_space<vmem>>, vector<1x16xi32>,
        %get3A_297 = vector.shape_cast %get3A_296 : vector<1x16xi32> to vector<16xi32>
        %shift_left3A_298 = arith.constant 16 : i32
        %shift_left3A_299 = vector.broadcast %shift_left3A_298 : i32 to vector<16xi32>
        %shift_left3A_300 = arith.shli %get3A_297, %shift_left3A_299 : vector<16xi32>
        %bitcast_convert_type3A_301 = tpu.bitcast %shift_left3A_300 : vector<16xi32> -> vector<16xf32>
        %and3A_302 = arith.andi %get3A_297, %broadcast_in_dim3A_5 : vector<16xi32>
        %bitcast_convert_type3A_303 = tpu.bitcast %and3A_302 : vector<16xi32> -> vector<16xf32>
        %add3A_304 = arith.addf %add3A_256, %bitcast_convert_type3A_301 : vector<16xf32>
        %add3A_305 = arith.addf %add3A_257, %bitcast_convert_type3A_303 : vector<16xf32>
        scf.yield %add3A_268, %add3A_280, %add3A_292, %add3A_304, %add3A_269, %add3A_281, %add3A_293, %add3A_305 : vector<16xf32>, vector<16xf32>, vector<16xf32>, vector<16xf32>, vector<16xf32>, vector<16xf32>, vector<16xf32>, vector<16xf32>
      }
      %scan3A_73 = arith.constant 96 : i32
      %scan3A_74 = arith.constant 96 : i32
      %scan3A_75 = arith.constant 8 : i32
      %scan3A_76 = arith.addi %scan3A_74, %scan3A_75 : i32
      %scan3A_77 = arith.constant 1 : i32
      %scan3A_78:8 = scf.for %scan3A_205 = %scan3A_74 to %scan3A_76 step %scan3A_77 iter_args(%scan3A_206 = %scan3A_72#0, %scan3A_207 = %scan3A_72#1, %scan3A_208 = %scan3A_72#2, %scan3A_209 = %scan3A_72#3, %scan3A_210 = %scan3A_72#4, %scan3A_211 = %scan3A_72#5, %scan3A_212 = %scan3A_72#6, %scan3A_213 = %scan3A_72#7) -> (vector<16xf32>, vector<16xf32>, vector<16xf32>, vector<16xf32>, vector<16xf32>, vector<16xf32>, vector<16xf32>, vector<16xf32>)  : i32 {
        %get3A = arith.index_cast %scan3A_205 : i32 to index
        %get3A_214 = arith.constant 0 : index
        %get3A_215 = tpu.vector_load %arg6[%get3A, %get3A_214] {strides = array<i32>} : memref<104x64xi32, #tpu.memory_space<vmem>>, vector<1x16xi32>,
        %get3A_216 = vector.shape_cast %get3A_215 : vector<1x16xi32> to vector<16xi32>
        %shift_left3A = arith.constant 16 : i32
        %shift_left3A_217 = vector.broadcast %shift_left3A : i32 to vector<16xi32>
        %shift_left3A_218 = arith.shli %get3A_216, %shift_left3A_217 : vector<16xi32>
        %bitcast_convert_type3A = tpu.bitcast %shift_left3A_218 : vector<16xi32> -> vector<16xf32>
        %and3A = arith.andi %get3A_216, %broadcast_in_dim3A_5 : vector<16xi32>
        %bitcast_convert_type3A_219 = tpu.bitcast %and3A : vector<16xi32> -> vector<16xf32>
        %add3A_220 = arith.addf %scan3A_206, %bitcast_convert_type3A : vector<16xf32>
        %add3A_221 = arith.addf %scan3A_210, %bitcast_convert_type3A_219 : vector<16xf32>
        %get3A_222 = arith.index_cast %scan3A_205 : i32 to index
        %get3A_223 = arith.constant 16 : index
        %get3A_224 = tpu.vector_load %arg6[%get3A_222, %get3A_223] {strides = array<i32>} : memref<104x64xi32, #tpu.memory_space<vmem>>, vector<1x16xi32>,
        %get3A_225 = vector.shape_cast %get3A_224 : vector<1x16xi32> to vector<16xi32>
        %shift_left3A_226 = arith.constant 16 : i32
        %shift_left3A_227 = vector.broadcast %shift_left3A_226 : i32 to vector<16xi32>
        %shift_left3A_228 = arith.shli %get3A_225, %shift_left3A_227 : vector<16xi32>
        %bitcast_convert_type3A_229 = tpu.bitcast %shift_left3A_228 : vector<16xi32> -> vector<16xf32>
        %and3A_230 = arith.andi %get3A_225, %broadcast_in_dim3A_5 : vector<16xi32>
        %bitcast_convert_type3A_231 = tpu.bitcast %and3A_230 : vector<16xi32> -> vector<16xf32>
        %add3A_232 = arith.addf %scan3A_207, %bitcast_convert_type3A_229 : vector<16xf32>
        %add3A_233 = arith.addf %scan3A_211, %bitcast_convert_type3A_231 : vector<16xf32>
        %get3A_234 = arith.index_cast %scan3A_205 : i32 to index
        %get3A_235 = arith.constant 32 : index
        %get3A_236 = tpu.vector_load %arg6[%get3A_234, %get3A_235] {strides = array<i32>} : memref<104x64xi32, #tpu.memory_space<vmem>>, vector<1x16xi32>,
        %get3A_237 = vector.shape_cast %get3A_236 : vector<1x16xi32> to vector<16xi32>
        %shift_left3A_238 = arith.constant 16 : i32
        %shift_left3A_239 = vector.broadcast %shift_left3A_238 : i32 to vector<16xi32>
        %shift_left3A_240 = arith.shli %get3A_237, %shift_left3A_239 : vector<16xi32>
        %bitcast_convert_type3A_241 = tpu.bitcast %shift_left3A_240 : vector<16xi32> -> vector<16xf32>
        %and3A_242 = arith.andi %get3A_237, %broadcast_in_dim3A_5 : vector<16xi32>
        %bitcast_convert_type3A_243 = tpu.bitcast %and3A_242 : vector<16xi32> -> vector<16xf32>
        %add3A_244 = arith.addf %scan3A_208, %bitcast_convert_type3A_241 : vector<16xf32>
        %add3A_245 = arith.addf %scan3A_212, %bitcast_convert_type3A_243 : vector<16xf32>
        %get3A_246 = arith.index_cast %scan3A_205 : i32 to index
        %get3A_247 = arith.constant 48 : index
        %get3A_248 = tpu.vector_load %arg6[%get3A_246, %get3A_247] {strides = array<i32>} : memref<104x64xi32, #tpu.memory_space<vmem>>, vector<1x16xi32>,
        %get3A_249 = vector.shape_cast %get3A_248 : vector<1x16xi32> to vector<16xi32>
        %shift_left3A_250 = arith.constant 16 : i32
        %shift_left3A_251 = vector.broadcast %shift_left3A_250 : i32 to vector<16xi32>
        %shift_left3A_252 = arith.shli %get3A_249, %shift_left3A_251 : vector<16xi32>
        %bitcast_convert_type3A_253 = tpu.bitcast %shift_left3A_252 : vector<16xi32> -> vector<16xf32>
        %and3A_254 = arith.andi %get3A_249, %broadcast_in_dim3A_5 : vector<16xi32>
        %bitcast_convert_type3A_255 = tpu.bitcast %and3A_254 : vector<16xi32> -> vector<16xf32>
        %add3A_256 = arith.addf %scan3A_209, %bitcast_convert_type3A_253 : vector<16xf32>
        %add3A_257 = arith.addf %scan3A_213, %bitcast_convert_type3A_255 : vector<16xf32>
        scf.yield %add3A_220, %add3A_232, %add3A_244, %add3A_256, %add3A_221, %add3A_233, %add3A_245, %add3A_257 : vector<16xf32>, vector<16xf32>, vector<16xf32>, vector<16xf32>, vector<16xf32>, vector<16xf32>, vector<16xf32>, vector<16xf32>
      }
      %scan3A_79 = arith.constant 8 : i32
      %swap3A = arith.index_cast %mul3A_22 : i32 to index
      %swap3A_80 = arith.constant 0 : index
      %swap3A_81 = tpu.vector_load %arg10[%swap3A, %swap3A_80] {strides = array<i32>} : memref<128x128xf32, #tpu.memory_space<vmem>>, vector<1x16xf32>,
      %swap3A_82 = vector.shape_cast %swap3A_81 : vector<1x16xf32> to vector<16xf32>
      %swap3A_83 = vector.shape_cast %scan3A_78#0 : vector<16xf32> to vector<1x16xf32>
      tpu.vector_store %arg10[%swap3A, %swap3A_80], %swap3A_83 {strides = array<i32>} : memref<128x128xf32, #tpu.memory_space<vmem>>, vector<1x16xf32>,
      %swap3A_84 = arith.index_cast %mul3A_22 : i32 to index
      %swap3A_85 = arith.constant 64 : index
      %swap3A_86 = tpu.vector_load %arg10[%swap3A_84, %swap3A_85] {strides = array<i32>} : memref<128x128xf32, #tpu.memory_space<vmem>>, vector<1x16xf32>,
      %swap3A_87 = vector.shape_cast %swap3A_86 : vector<1x16xf32> to vector<16xf32>
      %swap3A_88 = vector.shape_cast %scan3A_78#4 : vector<16xf32> to vector<1x16xf32>
      tpu.vector_store %arg10[%swap3A_84, %swap3A_85], %swap3A_88 {strides = array<i32>} : memref<128x128xf32, #tpu.memory_space<vmem>>, vector<1x16xf32>,
      %swap3A_89 = arith.index_cast %mul3A_22 : i32 to index
      %swap3A_90 = arith.constant 16 : index
      %swap3A_91 = tpu.vector_load %arg10[%swap3A_89, %swap3A_90] {strides = array<i32>} : memref<128x128xf32, #tpu.memory_space<vmem>>, vector<1x16xf32>,
      %swap3A_92 = vector.shape_cast %swap3A_91 : vector<1x16xf32> to vector<16xf32>
      %swap3A_93 = vector.shape_cast %scan3A_78#1 : vector<16xf32> to vector<1x16xf32>
      tpu.vector_store %arg10[%swap3A_89, %swap3A_90], %swap3A_93 {strides = array<i32>} : memref<128x128xf32, #tpu.memory_space<vmem>>, vector<1x16xf32>,
      %swap3A_94 = arith.index_cast %mul3A_22 : i32 to index
      %swap3A_95 = arith.constant 80 : index
      %swap3A_96 = tpu.vector_load %arg10[%swap3A_94, %swap3A_95] {strides = array<i32>} : memref<128x128xf32, #tpu.memory_space<vmem>>, vector<1x16xf32>,
      %swap3A_97 = vector.shape_cast %swap3A_96 : vector<1x16xf32> to vector<16xf32>
      %swap3A_98 = vector.shape_cast %scan3A_78#5 : vector<16xf32> to vector<1x16xf32>
      tpu.vector_store %arg10[%swap3A_94, %swap3A_95], %swap3A_98 {strides = array<i32>} : memref<128x128xf32, #tpu.memory_space<vmem>>, vector<1x16xf32>,
      %swap3A_99 = arith.index_cast %mul3A_22 : i32 to index
      %swap3A_100 = arith.constant 32 : index
      %swap3A_101 = tpu.vector_load %arg10[%swap3A_99, %swap3A_100] {strides = array<i32>} : memref<128x128xf32, #tpu.memory_space<vmem>>, vector<1x16xf32>,
      %swap3A_102 = vector.shape_cast %swap3A_101 : vector<1x16xf32> to vector<16xf32>
      %swap3A_103 = vector.shape_cast %scan3A_78#2 : vector<16xf32> to vector<1x16xf32>
      tpu.vector_store %arg10[%swap3A_99, %swap3A_100], %swap3A_103 {strides = array<i32>} : memref<128x128xf32, #tpu.memory_space<vmem>>, vector<1x16xf32>,
      %swap3A_104 = arith.index_cast %mul3A_22 : i32 to index
      %swap3A_105 = arith.constant 96 : index
      %swap3A_106 = tpu.vector_load %arg10[%swap3A_104, %swap3A_105] {strides = array<i32>} : memref<128x128xf32, #tpu.memory_space<vmem>>, vector<1x16xf32>,
      %swap3A_107 = vector.shape_cast %swap3A_106 : vector<1x16xf32> to vector<16xf32>
      %swap3A_108 = vector.shape_cast %scan3A_78#6 : vector<16xf32> to vector<1x16xf32>
      tpu.vector_store %arg10[%swap3A_104, %swap3A_105], %swap3A_108 {strides = array<i32>} : memref<128x128xf32, #tpu.memory_space<vmem>>, vector<1x16xf32>,
      %swap3A_109 = arith.index_cast %mul3A_22 : i32 to index
      %swap3A_110 = arith.constant 48 : index
      %swap3A_111 = tpu.vector_load %arg10[%swap3A_109, %swap3A_110] {strides = array<i32>} : memref<128x128xf32, #tpu.memory_space<vmem>>, vector<1x16xf32>,
      %swap3A_112 = vector.shape_cast %swap3A_111 : vector<1x16xf32> to vector<16xf32>
      %swap3A_113 = vector.shape_cast %scan3A_78#3 : vector<16xf32> to vector<1x16xf32>
      tpu.vector_store %arg10[%swap3A_109, %swap3A_110], %swap3A_113 {strides = array<i32>} : memref<128x128xf32, #tpu.memory_space<vmem>>, vector<1x16xf32>,
      %swap3A_114 = arith.index_cast %mul3A_22 : i32 to index
      %swap3A_115 = arith.constant 112 : index
      %swap3A_116 = tpu.vector_load %arg10[%swap3A_114, %swap3A_115] {strides = array<i32>} : memref<128x128xf32, #tpu.memory_space<vmem>>, vector<1x16xf32>,
      %swap3A_117 = vector.shape_cast %swap3A_116 : vector<1x16xf32> to vector<16xf32>
      %swap3A_118 = vector.shape_cast %scan3A_78#7 : vector<16xf32> to vector<1x16xf32>
      tpu.vector_store %arg10[%swap3A_114, %swap3A_115], %swap3A_118 {strides = array<i32>} : memref<128x128xf32, #tpu.memory_space<vmem>>, vector<1x16xf32>,
      %lt3A = arith.constant 63 : i32
      %lt3A_119 = arith.cmpi slt, %scan3A_20, %lt3A : i32
      %convert_element_type3A = arith.extui %lt3A_119 : i1 to i32
      %cond3A = arith.constant 0 : i32
      %cond3A_120 = arith.cmpi ne, %convert_element_type3A, %cond3A : i32
      scf.if %cond3A_120 {
        %add3A_205 = arith.constant 2 : i32
        %add3A_206 = arith.addi %mul3A_22, %add3A_205 : i32
        %mul3A_207 = arith.constant 200 : i32
        %mul3A_208 = arith.muli %add3A_206, %mul3A_207 : i32
        %dma_start3A_209 = tpu.memref_slice %arg5[%mul3A_208] : memref<25600xi32, #tpu.memory_space<vmem>> -> memref<104xi32, #tpu.memory_space<vmem>>
        %dma_start3A_210 = arith.constant 0 : i32
        %dma_start3A_211 = arith.constant 0 : i32
        %dma_start3A_212 = tpu.memref_slice %arg2[%dma_start3A_210, %dma_start3A_211] : memref<100000x64xi32, #tpu.memory_space<hbm>> -> memref<100000x64xi32, #tpu.memory_space<hbm>>
        tpu.enqueue_indirect_dma source(%dma_start3A_212 : memref<100000x64xi32, #tpu.memory_space<hbm>>) target(%arg6 : memref<104x64xi32, #tpu.memory_space<vmem>>) offsets(%dma_start3A_209 : memref<104xi32, #tpu.memory_space<vmem>>) semaphore(%arg11 : memref<!tpu.dma_semaphore, #tpu.memory_space<semaphore_mem>>)
        %mul3A_213 = arith.constant 200 : i32
        %mul3A_214 = arith.muli %add3A_206, %mul3A_213 : i32
        %add3A_215 = arith.constant 104 : i32
        %add3A_216 = arith.addi %mul3A_214, %add3A_215 : i32
        %dma_start3A_217 = tpu.memref_slice %arg5[%add3A_216] : memref<25600xi32, #tpu.memory_space<vmem>> -> memref<96xi32, #tpu.memory_space<vmem>>
        %dma_start3A_218 = arith.constant 0 : i32
        %dma_start3A_219 = arith.constant 0 : i32
        %dma_start3A_220 = tpu.memref_slice %arg2[%dma_start3A_218, %dma_start3A_219] : memref<100000x64xi32, #tpu.memory_space<hbm>> -> memref<100000x64xi32, #tpu.memory_space<hbm>>
        tpu.enqueue_indirect_dma source(%dma_start3A_220 : memref<100000x64xi32, #tpu.memory_space<hbm>>) target(%arg7 : memref<96x64xi32, #tpu.memory_space<vmem>>) offsets(%dma_start3A_217 : memref<96xi32, #tpu.memory_space<vmem>>) semaphore(%arg12 : memref<!tpu.dma_semaphore, #tpu.memory_space<semaphore_mem>>)
      } else {
      }
      %add3A_121 = arith.constant 1 : i32
      %add3A_122 = arith.addi %mul3A_22, %add3A_121 : i32
      %mul3A_123 = arith.constant 200 : i32
      %mul3A_124 = arith.muli %add3A_122, %mul3A_123 : i32
      %dma_wait3A_125 = tpu.memref_slice %arg5[%mul3A_124] : memref<25600xi32, #tpu.memory_space<vmem>> -> memref<104xi32, #tpu.memory_space<vmem>>
      %dma_wait3A_126 = arith.constant 0 : i32
      %dma_wait3A_127 = arith.constant 0 : i32
      %dma_wait3A_128 = tpu.memref_slice %arg2[%dma_wait3A_126, %dma_wait3A_127] : memref<100000x64xi32, #tpu.memory_space<hbm>> -> memref<100000x64xi32, #tpu.memory_space<hbm>>
      tpu.wait_indirect_dma semaphore(%arg13 : memref<!tpu.dma_semaphore, #tpu.memory_space<semaphore_mem>>) src(%dma_wait3A_128 : memref<100000x64xi32, #tpu.memory_space<hbm>>) dst(%arg8 : memref<104x64xi32, #tpu.memory_space<vmem>>)
      %mul3A_129 = arith.constant 200 : i32
      %mul3A_130 = arith.muli %add3A_122, %mul3A_129 : i32
      %add3A_131 = arith.constant 104 : i32
      %add3A_132 = arith.addi %mul3A_130, %add3A_131 : i32
      %dma_wait3A_133 = tpu.memref_slice %arg5[%add3A_132] : memref<25600xi32, #tpu.memory_space<vmem>> -> memref<96xi32, #tpu.memory_space<vmem>>
      %dma_wait3A_134 = arith.constant 0 : i32
      %dma_wait3A_135 = arith.constant 0 : i32
      %dma_wait3A_136 = tpu.memref_slice %arg2[%dma_wait3A_134, %dma_wait3A_135] : memref<100000x64xi32, #tpu.memory_space<hbm>> -> memref<100000x64xi32, #tpu.memory_space<hbm>>
      tpu.wait_indirect_dma semaphore(%arg14 : memref<!tpu.dma_semaphore, #tpu.memory_space<semaphore_mem>>) src(%dma_wait3A_136 : memref<100000x64xi32, #tpu.memory_space<hbm>>) dst(%arg9 : memref<96x64xi32, #tpu.memory_space<vmem>>)
      %broadcast_in_dim3A_137 = arith.constant 0.000000e+00 : f32
      %broadcast_in_dim3A_138 = vector.broadcast %broadcast_in_dim3A_137 : f32 to vector<16xf32>
      %broadcast_in_dim3A_139 = arith.constant 0.000000e+00 : f32
      %broadcast_in_dim3A_140 = vector.broadcast %broadcast_in_dim3A_139 : f32 to vector<16xf32>
      %broadcast_in_dim3A_141 = arith.constant 0.000000e+00 : f32
      %broadcast_in_dim3A_142 = vector.broadcast %broadcast_in_dim3A_141 : f32 to vector<16xf32>
      %broadcast_in_dim3A_143 = arith.constant 0.000000e+00 : f32
      %broadcast_in_dim3A_144 = vector.broadcast %broadcast_in_dim3A_143 : f32 to vector<16xf32>
      %broadcast_in_dim3A_145 = arith.constant 0.000000e+00 : f32
      %broadcast_in_dim3A_146 = vector.broadcast %broadcast_in_dim3A_145 : f32 to vector<16xf32>
      %broadcast_in_dim3A_147 = arith.constant 0.000000e+00 : f32
      %broadcast_in_dim3A_148 = vector.broadcast %broadcast_in_dim3A_147 : f32 to vector<16xf32>
      %broadcast_in_dim3A_149 = arith.constant 0.000000e+00 : f32
      %broadcast_in_dim3A_150 = vector.broadcast %broadcast_in_dim3A_149 : f32 to vector<16xf32>
      %broadcast_in_dim3A_151 = arith.constant 0.000000e+00 : f32
      %broadcast_in_dim3A_152 = vector.broadcast %broadcast_in_dim3A_151 : f32 to vector<16xf32>
      %scan3A_153 = arith.constant 0 : i32
      %scan3A_154 = arith.constant 96 : i32
      %scan3A_155 = arith.addi %scan3A_153, %scan3A_154 : i32
      %scan3A_156 = arith.constant 1 : i32
      %scan3A_157:8 = scf.for %scan3A_205 = %scan3A_153 to %scan3A_155 step %scan3A_156 iter_args(%scan3A_206 = %broadcast_in_dim3A_138, %scan3A_207 = %broadcast_in_dim3A_140, %scan3A_208 = %broadcast_in_dim3A_142, %scan3A_209 = %broadcast_in_dim3A_144, %scan3A_210 = %broadcast_in_dim3A_146, %scan3A_211 = %broadcast_in_dim3A_148, %scan3A_212 = %broadcast_in_dim3A_150, %scan3A_213 = %broadcast_in_dim3A_152) -> (vector<16xf32>, vector<16xf32>, vector<16xf32>, vector<16xf32>, vector<16xf32>, vector<16xf32>, vector<16xf32>, vector<16xf32>)  : i32 {
        %get3A = arith.index_cast %scan3A_205 : i32 to index
        %get3A_214 = arith.constant 0 : index
        %get3A_215 = tpu.vector_load %arg8[%get3A, %get3A_214] {strides = array<i32>} : memref<104x64xi32, #tpu.memory_space<vmem>>, vector<1x16xi32>,
        %get3A_216 = vector.shape_cast %get3A_215 : vector<1x16xi32> to vector<16xi32>
        %shift_left3A = arith.constant 16 : i32
        %shift_left3A_217 = vector.broadcast %shift_left3A : i32 to vector<16xi32>
        %shift_left3A_218 = arith.shli %get3A_216, %shift_left3A_217 : vector<16xi32>
        %bitcast_convert_type3A = tpu.bitcast %shift_left3A_218 : vector<16xi32> -> vector<16xf32>
        %and3A = arith.andi %get3A_216, %broadcast_in_dim3A_5 : vector<16xi32>
        %bitcast_convert_type3A_219 = tpu.bitcast %and3A : vector<16xi32> -> vector<16xf32>
        %add3A_220 = arith.addf %scan3A_206, %bitcast_convert_type3A : vector<16xf32>
        %add3A_221 = arith.addf %scan3A_210, %bitcast_convert_type3A_219 : vector<16xf32>
        %get3A_222 = arith.index_cast %scan3A_205 : i32 to index
        %get3A_223 = arith.constant 16 : index
        %get3A_224 = tpu.vector_load %arg8[%get3A_222, %get3A_223] {strides = array<i32>} : memref<104x64xi32, #tpu.memory_space<vmem>>, vector<1x16xi32>,
        %get3A_225 = vector.shape_cast %get3A_224 : vector<1x16xi32> to vector<16xi32>
        %shift_left3A_226 = arith.constant 16 : i32
        %shift_left3A_227 = vector.broadcast %shift_left3A_226 : i32 to vector<16xi32>
        %shift_left3A_228 = arith.shli %get3A_225, %shift_left3A_227 : vector<16xi32>
        %bitcast_convert_type3A_229 = tpu.bitcast %shift_left3A_228 : vector<16xi32> -> vector<16xf32>
        %and3A_230 = arith.andi %get3A_225, %broadcast_in_dim3A_5 : vector<16xi32>
        %bitcast_convert_type3A_231 = tpu.bitcast %and3A_230 : vector<16xi32> -> vector<16xf32>
        %add3A_232 = arith.addf %scan3A_207, %bitcast_convert_type3A_229 : vector<16xf32>
        %add3A_233 = arith.addf %scan3A_211, %bitcast_convert_type3A_231 : vector<16xf32>
        %get3A_234 = arith.index_cast %scan3A_205 : i32 to index
        %get3A_235 = arith.constant 32 : index
        %get3A_236 = tpu.vector_load %arg8[%get3A_234, %get3A_235] {strides = array<i32>} : memref<104x64xi32, #tpu.memory_space<vmem>>, vector<1x16xi32>,
        %get3A_237 = vector.shape_cast %get3A_236 : vector<1x16xi32> to vector<16xi32>
        %shift_left3A_238 = arith.constant 16 : i32
        %shift_left3A_239 = vector.broadcast %shift_left3A_238 : i32 to vector<16xi32>
        %shift_left3A_240 = arith.shli %get3A_237, %shift_left3A_239 : vector<16xi32>
        %bitcast_convert_type3A_241 = tpu.bitcast %shift_left3A_240 : vector<16xi32> -> vector<16xf32>
        %and3A_242 = arith.andi %get3A_237, %broadcast_in_dim3A_5 : vector<16xi32>
        %bitcast_convert_type3A_243 = tpu.bitcast %and3A_242 : vector<16xi32> -> vector<16xf32>
        %add3A_244 = arith.addf %scan3A_208, %bitcast_convert_type3A_241 : vector<16xf32>
        %add3A_245 = arith.addf %scan3A_212, %bitcast_convert_type3A_243 : vector<16xf32>
        %get3A_246 = arith.index_cast %scan3A_205 : i32 to index
        %get3A_247 = arith.constant 48 : index
        %get3A_248 = tpu.vector_load %arg8[%get3A_246, %get3A_247] {strides = array<i32>} : memref<104x64xi32, #tpu.memory_space<vmem>>, vector<1x16xi32>,
        %get3A_249 = vector.shape_cast %get3A_248 : vector<1x16xi32> to vector<16xi32>
        %shift_left3A_250 = arith.constant 16 : i32
        %shift_left3A_251 = vector.broadcast %shift_left3A_250 : i32 to vector<16xi32>
        %shift_left3A_252 = arith.shli %get3A_249, %shift_left3A_251 : vector<16xi32>
        %bitcast_convert_type3A_253 = tpu.bitcast %shift_left3A_252 : vector<16xi32> -> vector<16xf32>
        %and3A_254 = arith.andi %get3A_249, %broadcast_in_dim3A_5 : vector<16xi32>
        %bitcast_convert_type3A_255 = tpu.bitcast %and3A_254 : vector<16xi32> -> vector<16xf32>
        %add3A_256 = arith.addf %scan3A_209, %bitcast_convert_type3A_253 : vector<16xf32>
        %add3A_257 = arith.addf %scan3A_213, %bitcast_convert_type3A_255 : vector<16xf32>
        %get3A_258 = arith.index_cast %scan3A_205 : i32 to index
        %get3A_259 = arith.constant 0 : index
        %get3A_260 = tpu.vector_load %arg9[%get3A_258, %get3A_259] {strides = array<i32>} : memref<96x64xi32, #tpu.memory_space<vmem>>, vector<1x16xi32>,
        %get3A_261 = vector.shape_cast %get3A_260 : vector<1x16xi32> to vector<16xi32>
        %shift_left3A_262 = arith.constant 16 : i32
        %shift_left3A_263 = vector.broadcast %shift_left3A_262 : i32 to vector<16xi32>
        %shift_left3A_264 = arith.shli %get3A_261, %shift_left3A_263 : vector<16xi32>
        %bitcast_convert_type3A_265 = tpu.bitcast %shift_left3A_264 : vector<16xi32> -> vector<16xf32>
        %and3A_266 = arith.andi %get3A_261, %broadcast_in_dim3A_5 : vector<16xi32>
        %bitcast_convert_type3A_267 = tpu.bitcast %and3A_266 : vector<16xi32> -> vector<16xf32>
        %add3A_268 = arith.addf %add3A_220, %bitcast_convert_type3A_265 : vector<16xf32>
        %add3A_269 = arith.addf %add3A_221, %bitcast_convert_type3A_267 : vector<16xf32>
        %get3A_270 = arith.index_cast %scan3A_205 : i32 to index
        %get3A_271 = arith.constant 16 : index
        %get3A_272 = tpu.vector_load %arg9[%get3A_270, %get3A_271] {strides = array<i32>} : memref<96x64xi32, #tpu.memory_space<vmem>>, vector<1x16xi32>,
        %get3A_273 = vector.shape_cast %get3A_272 : vector<1x16xi32> to vector<16xi32>
        %shift_left3A_274 = arith.constant 16 : i32
        %shift_left3A_275 = vector.broadcast %shift_left3A_274 : i32 to vector<16xi32>
        %shift_left3A_276 = arith.shli %get3A_273, %shift_left3A_275 : vector<16xi32>
        %bitcast_convert_type3A_277 = tpu.bitcast %shift_left3A_276 : vector<16xi32> -> vector<16xf32>
        %and3A_278 = arith.andi %get3A_273, %broadcast_in_dim3A_5 : vector<16xi32>
        %bitcast_convert_type3A_279 = tpu.bitcast %and3A_278 : vector<16xi32> -> vector<16xf32>
        %add3A_280 = arith.addf %add3A_232, %bitcast_convert_type3A_277 : vector<16xf32>
        %add3A_281 = arith.addf %add3A_233, %bitcast_convert_type3A_279 : vector<16xf32>
        %get3A_282 = arith.index_cast %scan3A_205 : i32 to index
        %get3A_283 = arith.constant 32 : index
        %get3A_284 = tpu.vector_load %arg9[%get3A_282, %get3A_283] {strides = array<i32>} : memref<96x64xi32, #tpu.memory_space<vmem>>, vector<1x16xi32>,
        %get3A_285 = vector.shape_cast %get3A_284 : vector<1x16xi32> to vector<16xi32>
        %shift_left3A_286 = arith.constant 16 : i32
        %shift_left3A_287 = vector.broadcast %shift_left3A_286 : i32 to vector<16xi32>
        %shift_left3A_288 = arith.shli %get3A_285, %shift_left3A_287 : vector<16xi32>
        %bitcast_convert_type3A_289 = tpu.bitcast %shift_left3A_288 : vector<16xi32> -> vector<16xf32>
        %and3A_290 = arith.andi %get3A_285, %broadcast_in_dim3A_5 : vector<16xi32>
        %bitcast_convert_type3A_291 = tpu.bitcast %and3A_290 : vector<16xi32> -> vector<16xf32>
        %add3A_292 = arith.addf %add3A_244, %bitcast_convert_type3A_289 : vector<16xf32>
        %add3A_293 = arith.addf %add3A_245, %bitcast_convert_type3A_291 : vector<16xf32>
        %get3A_294 = arith.index_cast %scan3A_205 : i32 to index
        %get3A_295 = arith.constant 48 : index
        %get3A_296 = tpu.vector_load %arg9[%get3A_294, %get3A_295] {strides = array<i32>} : memref<96x64xi32, #tpu.memory_space<vmem>>, vector<1x16xi32>,
        %get3A_297 = vector.shape_cast %get3A_296 : vector<1x16xi32> to vector<16xi32>
        %shift_left3A_298 = arith.constant 16 : i32
        %shift_left3A_299 = vector.broadcast %shift_left3A_298 : i32 to vector<16xi32>
        %shift_left3A_300 = arith.shli %get3A_297, %shift_left3A_299 : vector<16xi32>
        %bitcast_convert_type3A_301 = tpu.bitcast %shift_left3A_300 : vector<16xi32> -> vector<16xf32>
        %and3A_302 = arith.andi %get3A_297, %broadcast_in_dim3A_5 : vector<16xi32>
        %bitcast_convert_type3A_303 = tpu.bitcast %and3A_302 : vector<16xi32> -> vector<16xf32>
        %add3A_304 = arith.addf %add3A_256, %bitcast_convert_type3A_301 : vector<16xf32>
        %add3A_305 = arith.addf %add3A_257, %bitcast_convert_type3A_303 : vector<16xf32>
        scf.yield %add3A_268, %add3A_280, %add3A_292, %add3A_304, %add3A_269, %add3A_281, %add3A_293, %add3A_305 : vector<16xf32>, vector<16xf32>, vector<16xf32>, vector<16xf32>, vector<16xf32>, vector<16xf32>, vector<16xf32>, vector<16xf32>
      }
      %scan3A_158 = arith.constant 96 : i32
      %scan3A_159 = arith.constant 96 : i32
      %scan3A_160 = arith.constant 8 : i32
      %scan3A_161 = arith.addi %scan3A_159, %scan3A_160 : i32
      %scan3A_162 = arith.constant 1 : i32
      %scan3A_163:8 = scf.for %scan3A_205 = %scan3A_159 to %scan3A_161 step %scan3A_162 iter_args(%scan3A_206 = %scan3A_157#0, %scan3A_207 = %scan3A_157#1, %scan3A_208 = %scan3A_157#2, %scan3A_209 = %scan3A_157#3, %scan3A_210 = %scan3A_157#4, %scan3A_211 = %scan3A_157#5, %scan3A_212 = %scan3A_157#6, %scan3A_213 = %scan3A_157#7) -> (vector<16xf32>, vector<16xf32>, vector<16xf32>, vector<16xf32>, vector<16xf32>, vector<16xf32>, vector<16xf32>, vector<16xf32>)  : i32 {
        %get3A = arith.index_cast %scan3A_205 : i32 to index
        %get3A_214 = arith.constant 0 : index
        %get3A_215 = tpu.vector_load %arg8[%get3A, %get3A_214] {strides = array<i32>} : memref<104x64xi32, #tpu.memory_space<vmem>>, vector<1x16xi32>,
        %get3A_216 = vector.shape_cast %get3A_215 : vector<1x16xi32> to vector<16xi32>
        %shift_left3A = arith.constant 16 : i32
        %shift_left3A_217 = vector.broadcast %shift_left3A : i32 to vector<16xi32>
        %shift_left3A_218 = arith.shli %get3A_216, %shift_left3A_217 : vector<16xi32>
        %bitcast_convert_type3A = tpu.bitcast %shift_left3A_218 : vector<16xi32> -> vector<16xf32>
        %and3A = arith.andi %get3A_216, %broadcast_in_dim3A_5 : vector<16xi32>
        %bitcast_convert_type3A_219 = tpu.bitcast %and3A : vector<16xi32> -> vector<16xf32>
        %add3A_220 = arith.addf %scan3A_206, %bitcast_convert_type3A : vector<16xf32>
        %add3A_221 = arith.addf %scan3A_210, %bitcast_convert_type3A_219 : vector<16xf32>
        %get3A_222 = arith.index_cast %scan3A_205 : i32 to index
        %get3A_223 = arith.constant 16 : index
        %get3A_224 = tpu.vector_load %arg8[%get3A_222, %get3A_223] {strides = array<i32>} : memref<104x64xi32, #tpu.memory_space<vmem>>, vector<1x16xi32>,
        %get3A_225 = vector.shape_cast %get3A_224 : vector<1x16xi32> to vector<16xi32>
        %shift_left3A_226 = arith.constant 16 : i32
        %shift_left3A_227 = vector.broadcast %shift_left3A_226 : i32 to vector<16xi32>
        %shift_left3A_228 = arith.shli %get3A_225, %shift_left3A_227 : vector<16xi32>
        %bitcast_convert_type3A_229 = tpu.bitcast %shift_left3A_228 : vector<16xi32> -> vector<16xf32>
        %and3A_230 = arith.andi %get3A_225, %broadcast_in_dim3A_5 : vector<16xi32>
        %bitcast_convert_type3A_231 = tpu.bitcast %and3A_230 : vector<16xi32> -> vector<16xf32>
        %add3A_232 = arith.addf %scan3A_207, %bitcast_convert_type3A_229 : vector<16xf32>
        %add3A_233 = arith.addf %scan3A_211, %bitcast_convert_type3A_231 : vector<16xf32>
        %get3A_234 = arith.index_cast %scan3A_205 : i32 to index
        %get3A_235 = arith.constant 32 : index
        %get3A_236 = tpu.vector_load %arg8[%get3A_234, %get3A_235] {strides = array<i32>} : memref<104x64xi32, #tpu.memory_space<vmem>>, vector<1x16xi32>,
        %get3A_237 = vector.shape_cast %get3A_236 : vector<1x16xi32> to vector<16xi32>
        %shift_left3A_238 = arith.constant 16 : i32
        %shift_left3A_239 = vector.broadcast %shift_left3A_238 : i32 to vector<16xi32>
        %shift_left3A_240 = arith.shli %get3A_237, %shift_left3A_239 : vector<16xi32>
        %bitcast_convert_type3A_241 = tpu.bitcast %shift_left3A_240 : vector<16xi32> -> vector<16xf32>
        %and3A_242 = arith.andi %get3A_237, %broadcast_in_dim3A_5 : vector<16xi32>
        %bitcast_convert_type3A_243 = tpu.bitcast %and3A_242 : vector<16xi32> -> vector<16xf32>
        %add3A_244 = arith.addf %scan3A_208, %bitcast_convert_type3A_241 : vector<16xf32>
        %add3A_245 = arith.addf %scan3A_212, %bitcast_convert_type3A_243 : vector<16xf32>
        %get3A_246 = arith.index_cast %scan3A_205 : i32 to index
        %get3A_247 = arith.constant 48 : index
        %get3A_248 = tpu.vector_load %arg8[%get3A_246, %get3A_247] {strides = array<i32>} : memref<104x64xi32, #tpu.memory_space<vmem>>, vector<1x16xi32>,
        %get3A_249 = vector.shape_cast %get3A_248 : vector<1x16xi32> to vector<16xi32>
        %shift_left3A_250 = arith.constant 16 : i32
        %shift_left3A_251 = vector.broadcast %shift_left3A_250 : i32 to vector<16xi32>
        %shift_left3A_252 = arith.shli %get3A_249, %shift_left3A_251 : vector<16xi32>
        %bitcast_convert_type3A_253 = tpu.bitcast %shift_left3A_252 : vector<16xi32> -> vector<16xf32>
        %and3A_254 = arith.andi %get3A_249, %broadcast_in_dim3A_5 : vector<16xi32>
        %bitcast_convert_type3A_255 = tpu.bitcast %and3A_254 : vector<16xi32> -> vector<16xf32>
        %add3A_256 = arith.addf %scan3A_209, %bitcast_convert_type3A_253 : vector<16xf32>
        %add3A_257 = arith.addf %scan3A_213, %bitcast_convert_type3A_255 : vector<16xf32>
        scf.yield %add3A_220, %add3A_232, %add3A_244, %add3A_256, %add3A_221, %add3A_233, %add3A_245, %add3A_257 : vector<16xf32>, vector<16xf32>, vector<16xf32>, vector<16xf32>, vector<16xf32>, vector<16xf32>, vector<16xf32>, vector<16xf32>
      }
      %scan3A_164 = arith.constant 8 : i32
      %swap3A_165 = arith.index_cast %add3A_122 : i32 to index
      %swap3A_166 = arith.constant 0 : index
      %swap3A_167 = tpu.vector_load %arg10[%swap3A_165, %swap3A_166] {strides = array<i32>} : memref<128x128xf32, #tpu.memory_space<vmem>>, vector<1x16xf32>,
      %swap3A_168 = vector.shape_cast %swap3A_167 : vector<1x16xf32> to vector<16xf32>
      %swap3A_169 = vector.shape_cast %scan3A_163#0 : vector<16xf32> to vector<1x16xf32>
      tpu.vector_store %arg10[%swap3A_165, %swap3A_166], %swap3A_169 {strides = array<i32>} : memref<128x128xf32, #tpu.memory_space<vmem>>, vector<1x16xf32>,
      %swap3A_170 = arith.index_cast %add3A_122 : i32 to index
      %swap3A_171 = arith.constant 64 : index
      %swap3A_172 = tpu.vector_load %arg10[%swap3A_170, %swap3A_171] {strides = array<i32>} : memref<128x128xf32, #tpu.memory_space<vmem>>, vector<1x16xf32>,
      %swap3A_173 = vector.shape_cast %swap3A_172 : vector<1x16xf32> to vector<16xf32>
      %swap3A_174 = vector.shape_cast %scan3A_163#4 : vector<16xf32> to vector<1x16xf32>
      tpu.vector_store %arg10[%swap3A_170, %swap3A_171], %swap3A_174 {strides = array<i32>} : memref<128x128xf32, #tpu.memory_space<vmem>>, vector<1x16xf32>,
      %swap3A_175 = arith.index_cast %add3A_122 : i32 to index
      %swap3A_176 = arith.constant 16 : index
      %swap3A_177 = tpu.vector_load %arg10[%swap3A_175, %swap3A_176] {strides = array<i32>} : memref<128x128xf32, #tpu.memory_space<vmem>>, vector<1x16xf32>,
      %swap3A_178 = vector.shape_cast %swap3A_177 : vector<1x16xf32> to vector<16xf32>
      %swap3A_179 = vector.shape_cast %scan3A_163#1 : vector<16xf32> to vector<1x16xf32>
      tpu.vector_store %arg10[%swap3A_175, %swap3A_176], %swap3A_179 {strides = array<i32>} : memref<128x128xf32, #tpu.memory_space<vmem>>, vector<1x16xf32>,
      %swap3A_180 = arith.index_cast %add3A_122 : i32 to index
      %swap3A_181 = arith.constant 80 : index
      %swap3A_182 = tpu.vector_load %arg10[%swap3A_180, %swap3A_181] {strides = array<i32>} : memref<128x128xf32, #tpu.memory_space<vmem>>, vector<1x16xf32>,
      %swap3A_183 = vector.shape_cast %swap3A_182 : vector<1x16xf32> to vector<16xf32>
      %swap3A_184 = vector.shape_cast %scan3A_163#5 : vector<16xf32> to vector<1x16xf32>
      tpu.vector_store %arg10[%swap3A_180, %swap3A_181], %swap3A_184 {strides = array<i32>} : memref<128x128xf32, #tpu.memory_space<vmem>>, vector<1x16xf32>,
      %swap3A_185 = arith.index_cast %add3A_122 : i32 to index
      %swap3A_186 = arith.constant 32 : index
      %swap3A_187 = tpu.vector_load %arg10[%swap3A_185, %swap3A_186] {strides = array<i32>} : memref<128x128xf32, #tpu.memory_space<vmem>>, vector<1x16xf32>,
      %swap3A_188 = vector.shape_cast %swap3A_187 : vector<1x16xf32> to vector<16xf32>
      %swap3A_189 = vector.shape_cast %scan3A_163#2 : vector<16xf32> to vector<1x16xf32>
      tpu.vector_store %arg10[%swap3A_185, %swap3A_186], %swap3A_189 {strides = array<i32>} : memref<128x128xf32, #tpu.memory_space<vmem>>, vector<1x16xf32>,
      %swap3A_190 = arith.index_cast %add3A_122 : i32 to index
      %swap3A_191 = arith.constant 96 : index
      %swap3A_192 = tpu.vector_load %arg10[%swap3A_190, %swap3A_191] {strides = array<i32>} : memref<128x128xf32, #tpu.memory_space<vmem>>, vector<1x16xf32>,
      %swap3A_193 = vector.shape_cast %swap3A_192 : vector<1x16xf32> to vector<16xf32>
      %swap3A_194 = vector.shape_cast %scan3A_163#6 : vector<16xf32> to vector<1x16xf32>
      tpu.vector_store %arg10[%swap3A_190, %swap3A_191], %swap3A_194 {strides = array<i32>} : memref<128x128xf32, #tpu.memory_space<vmem>>, vector<1x16xf32>,
      %swap3A_195 = arith.index_cast %add3A_122 : i32 to index
      %swap3A_196 = arith.constant 48 : index
      %swap3A_197 = tpu.vector_load %arg10[%swap3A_195, %swap3A_196] {strides = array<i32>} : memref<128x128xf32, #tpu.memory_space<vmem>>, vector<1x16xf32>,
      %swap3A_198 = vector.shape_cast %swap3A_197 : vector<1x16xf32> to vector<16xf32>
      %swap3A_199 = vector.shape_cast %scan3A_163#3 : vector<16xf32> to vector<1x16xf32>
      tpu.vector_store %arg10[%swap3A_195, %swap3A_196], %swap3A_199 {strides = array<i32>} : memref<128x128xf32, #tpu.memory_space<vmem>>, vector<1x16xf32>,
      %swap3A_200 = arith.index_cast %add3A_122 : i32 to index
      %swap3A_201 = arith.constant 112 : index
      %swap3A_202 = tpu.vector_load %arg10[%swap3A_200, %swap3A_201] {strides = array<i32>} : memref<128x128xf32, #tpu.memory_space<vmem>>, vector<1x16xf32>,
      %swap3A_203 = vector.shape_cast %swap3A_202 : vector<1x16xf32> to vector<16xf32>
      %swap3A_204 = vector.shape_cast %scan3A_163#7 : vector<16xf32> to vector<1x16xf32>
      tpu.vector_store %arg10[%swap3A_200, %swap3A_201], %swap3A_204 {strides = array<i32>} : memref<128x128xf32, #tpu.memory_space<vmem>>, vector<1x16xf32>,
    }
    %scan3A_19 = arith.constant 64 : i32
    "tpu.region"() ({
      %run_scoped3A = tpu.sem_alloc : memref<!tpu.dma_semaphore, #tpu.memory_space<semaphore_mem>>
      %dma_start3A_20 = arith.constant 0 : i32
      %dma_start3A_21 = tpu.memref_slice %arg4[%mul3A_2, %dma_start3A_20] : memref<4096x128xf32, #tpu.memory_space<hbm>> -> memref<128x128xf32, #tpu.memory_space<hbm>>
      %dma_start3A_22 = arith.constant 0 : i32
      %dma_start3A_23 = tpu.memref_slice %arg4[%mul3A_2, %dma_start3A_22] : memref<4096x128xf32, #tpu.memory_space<hbm>> -> memref<128x128xf32, #tpu.memory_space<hbm>>
      tpu.enqueue_dma source(%arg10 : memref<128x128xf32, #tpu.memory_space<vmem>>) target(%dma_start3A_23 : memref<128x128xf32, #tpu.memory_space<hbm>>) target_semaphore(%run_scoped3A : memref<!tpu.dma_semaphore, #tpu.memory_space<semaphore_mem>>)
      %dma_wait3A = arith.constant 0 : i32
      %dma_wait3A_24 = tpu.memref_slice %arg4[%mul3A_2, %dma_wait3A] : memref<4096x128xf32, #tpu.memory_space<hbm>> -> memref<128x128xf32, #tpu.memory_space<hbm>>
      %dma_wait3A_25 = arith.constant 0 : i32
      %dma_wait3A_26 = tpu.memref_slice %arg4[%mul3A_2, %dma_wait3A_25] : memref<4096x128xf32, #tpu.memory_space<hbm>> -> memref<128x128xf32, #tpu.memory_space<hbm>>
      tpu.wait_dma2 semaphore(%run_scoped3A : memref<!tpu.dma_semaphore, #tpu.memory_space<semaphore_mem>>) src(%arg10 : memref<128x128xf32, #tpu.memory_space<vmem>>) dst(%dma_wait3A_26 : memref<128x128xf32, #tpu.memory_space<hbm>>)
      tpu.yield
    }) : () -> ()
    return
  }
}

module attributes {stable_mosaic.version = 14 : i64} {
  func.func @body(%arg0: i32, %arg1: memref<5000x128xf32, #tpu.memory_space<vmem>>, %arg2: memref<5000x128xf32, #tpu.memory_space<vmem>>, %arg3: memref<5000x128xi32, #tpu.memory_space<vmem>>) attributes {dimension_semantics = [#tpu.dimension_semantics<arbitrary>], iteration_bounds = array<i64: 10>, scalar_prefetch = 0 : i64, scratch_operands = 0 : i64, tpu.core_type = #tpu.core_type<tc>, window_params = [{transform_indices = @transform_0, window_bounds = array<i64: 5000, 128>}, {transform_indices = @transform_1, window_bounds = array<i64: 5000, 128>}, {transform_indices = @transform_2, window_bounds = array<i64: 5000, 128>}]} {
    %get3A = arith.constant 0 : index
    %get3A_0 = arith.constant 0 : index
    %get3A_1 = vector.load %arg1[%get3A, %get3A_0] : memref<5000x128xf32, #tpu.memory_space<vmem>>, vector<5000x128xf32>
    %bitcast_convert_type3A = tpu.bitcast %get3A_1 : vector<5000x128xf32> -> vector<5000x128xi32>
    %add3A = arith.constant 32768 : i32
    %add3A_2 = vector.broadcast %add3A : i32 to vector<5000x128xi32>
    %add3A_3 = arith.addi %bitcast_convert_type3A, %add3A_2 : vector<5000x128xi32>
    %slice3A = vector.extract_strided_slice %add3A_3 {offsets = [0, 0], sizes = [5000, 64], strides = [1, 1]} : vector<5000x128xi32> to vector<5000x64xi32>
    %shift_right_logical3A = arith.constant 16 : i32
    %shift_right_logical3A_4 = vector.broadcast %shift_right_logical3A : i32 to vector<5000x64xi32>
    %shift_right_logical3A_5 = arith.shrui %slice3A, %shift_right_logical3A_4 : vector<5000x64xi32>
    %slice3A_6 = vector.extract_strided_slice %add3A_3 {offsets = [0, 64], sizes = [5000, 64], strides = [1, 1]} : vector<5000x128xi32> to vector<5000x64xi32>
    %and3A = arith.constant -65536 : i32
    %and3A_7 = vector.broadcast %and3A : i32 to vector<5000x64xi32>
    %and3A_8 = arith.andi %slice3A_6, %and3A_7 : vector<5000x64xi32>
    %or3A = arith.ori %shift_right_logical3A_5, %and3A_8 : vector<5000x64xi32>
    %bitcast_convert_type3A_9 = tpu.bitcast %or3A : vector<5000x64xi32> -> vector<5000x64xi32>
    %swap3A = arith.constant 0 : index
    %swap3A_10 = arith.constant 0 : index
    %swap3A_11 = vector.load %arg3[%swap3A, %swap3A_10] : memref<5000x128xi32, #tpu.memory_space<vmem>>, vector<5000x64xi32>
    tpu.vector_store %arg3[%swap3A, %swap3A_10], %bitcast_convert_type3A_9 {strides = array<i32>} : memref<5000x128xi32, #tpu.memory_space<vmem>>, vector<5000x64xi32>,
    %get3A_12 = arith.constant 0 : index
    %get3A_13 = arith.constant 0 : index
    %get3A_14 = vector.load %arg2[%get3A_12, %get3A_13] : memref<5000x128xf32, #tpu.memory_space<vmem>>, vector<5000x128xf32>
    %bitcast_convert_type3A_15 = tpu.bitcast %get3A_14 : vector<5000x128xf32> -> vector<5000x128xi32>
    %add3A_16 = arith.constant 32768 : i32
    %add3A_17 = vector.broadcast %add3A_16 : i32 to vector<5000x128xi32>
    %add3A_18 = arith.addi %bitcast_convert_type3A_15, %add3A_17 : vector<5000x128xi32>
    %slice3A_19 = vector.extract_strided_slice %add3A_18 {offsets = [0, 0], sizes = [5000, 64], strides = [1, 1]} : vector<5000x128xi32> to vector<5000x64xi32>
    %shift_right_logical3A_20 = arith.constant 16 : i32
    %shift_right_logical3A_21 = vector.broadcast %shift_right_logical3A_20 : i32 to vector<5000x64xi32>
    %shift_right_logical3A_22 = arith.shrui %slice3A_19, %shift_right_logical3A_21 : vector<5000x64xi32>
    %slice3A_23 = vector.extract_strided_slice %add3A_18 {offsets = [0, 64], sizes = [5000, 64], strides = [1, 1]} : vector<5000x128xi32> to vector<5000x64xi32>
    %and3A_24 = arith.constant -65536 : i32
    %and3A_25 = vector.broadcast %and3A_24 : i32 to vector<5000x64xi32>
    %and3A_26 = arith.andi %slice3A_23, %and3A_25 : vector<5000x64xi32>
    %or3A_27 = arith.ori %shift_right_logical3A_22, %and3A_26 : vector<5000x64xi32>
    %bitcast_convert_type3A_28 = tpu.bitcast %or3A_27 : vector<5000x64xi32> -> vector<5000x64xi32>
    %swap3A_29 = arith.constant 0 : index
    %swap3A_30 = arith.constant 64 : index
    %swap3A_31 = vector.load %arg3[%swap3A_29, %swap3A_30] : memref<5000x128xi32, #tpu.memory_space<vmem>>, vector<5000x64xi32>
    tpu.vector_store %arg3[%swap3A_29, %swap3A_30], %bitcast_convert_type3A_28 {strides = array<i32>} : memref<5000x128xi32, #tpu.memory_space<vmem>>, vector<5000x64xi32>,
    return
  }
  func.func @transform_0(%arg0: i32) -> (i32, i32) {
    %c0_i32 = arith.constant 0 : i32
    %c0_i32_0 = arith.constant 0 : i32
    return %arg0, %c0_i32 : i32, i32
  }
  func.func @transform_1(%arg0: i32) -> (i32, i32) {
    %add3A = arith.constant 10 : i32
    %add3A_0 = arith.addi %arg0, %add3A : i32
    %c0_i32 = arith.constant 0 : i32
    %c0_i32_1 = arith.constant 0 : i32
    return %add3A_0, %c0_i32 : i32, i32
  }
  func.func @transform_2(%arg0: i32) -> (i32, i32) {
    %c0_i32 = arith.constant 0 : i32
    %c0_i32_0 = arith.constant 0 : i32
    return %arg0, %c0_i32 : i32, i32
  }
}

module attributes {stable_mosaic.version = 14 : i64} {
  func.func @body(%arg0: i32, %arg1: memref<512x128xf32, #tpu.memory_space<vmem>>, %arg2: memref<512x128xf32, #tpu.memory_space<vmem>>, %arg3: memref<1x512xf32, #tpu.memory_space<vmem>>, %arg4: memref<256x512xf32, #tpu.memory_space<vmem>>, %arg5: memref<1x256xf32, #tpu.memory_space<vmem>>, %arg6: memref<2x256xf32, #tpu.memory_space<vmem>>, %arg7: memref<1x2xf32, #tpu.memory_space<vmem>>, %arg8: memref<512x2xf32, #tpu.memory_space<vmem>>) attributes {dimension_semantics = [#tpu.dimension_semantics<arbitrary>], iteration_bounds = array<i64: 8>, scalar_prefetch = 0 : i64, scratch_operands = 0 : i64, tpu.core_type = #tpu.core_type<tc>, window_params = [{transform_indices = @transform_0, window_bounds = array<i64: 512, 128>}, {pipeline_mode = #tpu.pipeline_mode<synchronous>, transform_indices = @transform_1, window_bounds = array<i64: 512, 128>}, {pipeline_mode = #tpu.pipeline_mode<synchronous>, transform_indices = @transform_2, window_bounds = array<i64: 1, 512>}, {pipeline_mode = #tpu.pipeline_mode<synchronous>, transform_indices = @transform_3, window_bounds = array<i64: 256, 512>}, {pipeline_mode = #tpu.pipeline_mode<synchronous>, transform_indices = @transform_4, window_bounds = array<i64: 1, 256>}, {pipeline_mode = #tpu.pipeline_mode<synchronous>, transform_indices = @transform_5, window_bounds = array<i64: 2, 256>}, {pipeline_mode = #tpu.pipeline_mode<synchronous>, transform_indices = @transform_6, window_bounds = array<i64: 1, 2>}, {transform_indices = @transform_7, window_bounds = array<i64: 512, 2>}]} {
    %get3A = arith.constant 0 : index
    %get3A_0 = arith.constant 0 : index
    %get3A_1 = vector.load %arg1[%get3A, %get3A_0] : memref<512x128xf32, #tpu.memory_space<vmem>>, vector<512x128xf32>
    %mul3A = arith.constant 5.000000e-03 : f32
    %mul3A_2 = vector.broadcast %mul3A : f32 to vector<512x128xf32>
    %mul3A_3 = arith.mulf %get3A_1, %mul3A_2 : vector<512x128xf32>
    %get3A_4 = arith.constant 0 : index
    %get3A_5 = arith.constant 0 : index
    %get3A_6 = vector.load %arg2[%get3A_4, %get3A_5] : memref<512x128xf32, #tpu.memory_space<vmem>>, vector<512x128xf32>
    %convert_element_type3A = arith.truncf %mul3A_3 : vector<512x128xf32> to vector<512x128xbf16>
    %convert_element_type3A_7 = arith.truncf %get3A_6 : vector<512x128xf32> to vector<512x128xbf16>
    %dot_general3A = arith.constant dense<0.000000e+00> : vector<512x512xf32>
    %dot_general3A_8 = tpu.matmul %convert_element_type3A, %convert_element_type3A_7, %dot_general3A {dimension_numbers = #tpu.dot_dimension_numbers<[1], [1], [0], [0], [0, 0, 1, 0], [], []>, transpose_lhs_hint = false} : vector<512x128xbf16>, vector<512x128xbf16>, vector<512x512xf32> -> vector<512x512xf32>
    %get3A_9 = arith.constant 0 : index
    %get3A_10 = arith.constant 0 : index
    %get3A_11 = vector.load %arg3[%get3A_9, %get3A_10] : memref<1x512xf32, #tpu.memory_space<vmem>>, vector<1x512xf32>
    %add3A = vector.broadcast %get3A_11 : vector<1x512xf32> to vector<512x512xf32>
    %add3A_12 = arith.addf %dot_general3A_8, %add3A : vector<512x512xf32>
    %max3A = arith.constant 0.000000e+00 : f32
    %max3A_13 = vector.broadcast %max3A : f32 to vector<512x512xf32>
    %max3A_14 = arith.maximumf %add3A_12, %max3A_13 : vector<512x512xf32>
    %get3A_15 = arith.constant 0 : index
    %get3A_16 = arith.constant 0 : index
    %get3A_17 = vector.load %arg4[%get3A_15, %get3A_16] : memref<256x512xf32, #tpu.memory_space<vmem>>, vector<256x512xf32>
    %convert_element_type3A_18 = arith.truncf %max3A_14 : vector<512x512xf32> to vector<512x512xbf16>
    %convert_element_type3A_19 = arith.truncf %get3A_17 : vector<256x512xf32> to vector<256x512xbf16>
    %dot_general3A_20 = arith.constant dense<0.000000e+00> : vector<512x256xf32>
    %dot_general3A_21 = tpu.matmul %convert_element_type3A_18, %convert_element_type3A_19, %dot_general3A_20 {dimension_numbers = #tpu.dot_dimension_numbers<[1], [1], [0], [0], [0, 0, 1, 0], [], []>, transpose_lhs_hint = false} : vector<512x512xbf16>, vector<256x512xbf16>, vector<512x256xf32> -> vector<512x256xf32>
    %get3A_22 = arith.constant 0 : index
    %get3A_23 = arith.constant 0 : index
    %get3A_24 = vector.load %arg5[%get3A_22, %get3A_23] : memref<1x256xf32, #tpu.memory_space<vmem>>, vector<1x256xf32>
    %add3A_25 = vector.broadcast %get3A_24 : vector<1x256xf32> to vector<512x256xf32>
    %add3A_26 = arith.addf %dot_general3A_21, %add3A_25 : vector<512x256xf32>
    %max3A_27 = arith.constant 0.000000e+00 : f32
    %max3A_28 = vector.broadcast %max3A_27 : f32 to vector<512x256xf32>
    %max3A_29 = arith.maximumf %add3A_26, %max3A_28 : vector<512x256xf32>
    %get3A_30 = arith.constant 0 : index
    %get3A_31 = arith.constant 0 : index
    %get3A_32 = vector.load %arg6[%get3A_30, %get3A_31] : memref<2x256xf32, #tpu.memory_space<vmem>>, vector<2x256xf32>
    %convert_element_type3A_33 = arith.truncf %max3A_29 : vector<512x256xf32> to vector<512x256xbf16>
    %convert_element_type3A_34 = arith.truncf %get3A_32 : vector<2x256xf32> to vector<2x256xbf16>
    %dot_general3A_35 = arith.constant dense<0.000000e+00> : vector<512x2xf32>
    %dot_general3A_36 = tpu.matmul %convert_element_type3A_33, %convert_element_type3A_34, %dot_general3A_35 {dimension_numbers = #tpu.dot_dimension_numbers<[1], [1], [0], [0], [0, 0, 1, 0], [], []>, transpose_lhs_hint = false} : vector<512x256xbf16>, vector<2x256xbf16>, vector<512x2xf32> -> vector<512x2xf32>
    %get3A_37 = arith.constant 0 : index
    %get3A_38 = arith.constant 0 : index
    %get3A_39 = vector.load %arg7[%get3A_37, %get3A_38] : memref<1x2xf32, #tpu.memory_space<vmem>>, vector<1x2xf32>
    %add3A_40 = vector.broadcast %get3A_39 : vector<1x2xf32> to vector<512x2xf32>
    %add3A_41 = arith.addf %dot_general3A_36, %add3A_40 : vector<512x2xf32>
    %swap3A = arith.constant 0 : index
    %swap3A_42 = arith.constant 0 : index
    %swap3A_43 = vector.load %arg8[%swap3A, %swap3A_42] : memref<512x2xf32, #tpu.memory_space<vmem>>, vector<512x2xf32>
    tpu.vector_store %arg8[%swap3A, %swap3A_42], %add3A_41 {strides = array<i32>} : memref<512x2xf32, #tpu.memory_space<vmem>>, vector<512x2xf32>,
    return
  }
  func.func @transform_0(%arg0: i32) -> (i32, i32) {
    %c0_i32 = arith.constant 0 : i32
    %c0_i32_0 = arith.constant 0 : i32
    return %arg0, %c0_i32 : i32, i32
  }
  func.func @transform_1(%arg0: i32) -> (i32, i32) {
    %c0_i32 = arith.constant 0 : i32
    %c0_i32_0 = arith.constant 0 : i32
    %c0_i32_1 = arith.constant 0 : i32
    return %c0_i32, %c0_i32_0 : i32, i32
  }
  func.func @transform_2(%arg0: i32) -> (i32, i32) {
    %c0_i32 = arith.constant 0 : i32
    %c0_i32_0 = arith.constant 0 : i32
    %c0_i32_1 = arith.constant 0 : i32
    return %c0_i32, %c0_i32_0 : i32, i32
  }
  func.func @transform_3(%arg0: i32) -> (i32, i32) {
    %c0_i32 = arith.constant 0 : i32
    %c0_i32_0 = arith.constant 0 : i32
    %c0_i32_1 = arith.constant 0 : i32
    return %c0_i32, %c0_i32_0 : i32, i32
  }
  func.func @transform_4(%arg0: i32) -> (i32, i32) {
    %c0_i32 = arith.constant 0 : i32
    %c0_i32_0 = arith.constant 0 : i32
    %c0_i32_1 = arith.constant 0 : i32
    return %c0_i32, %c0_i32_0 : i32, i32
  }
  func.func @transform_5(%arg0: i32) -> (i32, i32) {
    %c0_i32 = arith.constant 0 : i32
    %c0_i32_0 = arith.constant 0 : i32
    %c0_i32_1 = arith.constant 0 : i32
    return %c0_i32, %c0_i32_0 : i32, i32
  }
  func.func @transform_6(%arg0: i32) -> (i32, i32) {
    %c0_i32 = arith.constant 0 : i32
    %c0_i32_0 = arith.constant 0 : i32
    %c0_i32_1 = arith.constant 0 : i32
    return %c0_i32, %c0_i32_0 : i32, i32
  }
  func.func @transform_7(%arg0: i32) -> (i32, i32) {
    %c0_i32 = arith.constant 0 : i32
    %c0_i32_0 = arith.constant 0 : i32
    return %arg0, %c0_i32 : i32, i32
  }
}

</mosaic_0001>

<sc_bundles>
// kernel: kernel.5.cloned.1.call-start
scs
__scs_entry_jumppad:
0x0: {  	(pc) =	sbr.rel $0x88, $3  }
0x1: {  	(tag) =	ssettag $0x0;
	lr =	simm.s32 $0x1  }
0x2: {  	[smem:$0x3F99] =	sst lr;
	_ =	strace $0xD0000000  }
0x3: {  	_ = 	snop  }
0x4: {  	_ = 	snop  }
0x5: {  	_ = 	snop  }
0x6: {  	_ = 	snop  }
0x7: {  	_ = 	snop  }
__scs_overlays_trampoline_lowered:
0x8: {  	[smem:$0x3FA8] =	sst s0  }
0x9: {  	[smem:$0x3FA9] =	sst s1  }
0xa: {  	[smem:$0x3FAA] =	sst s2  }
0xb: {  	[smem:$0x3FAB] =	sst s3  }
0xc: {  	[smem:$0x3FAC] =	sst s4  }
0xd: {  	[smem:$0x3FAD] =	sst s5  }
0xe: {  	[smem:$0x3FAE] =	sst s6  }
0xf: {  	[smem:$0x3FAF] =	sst s7  }
0x10: {  	[smem:$0x3FB0] =	sst s8  }
0x11: {  	[smem:$0x3FB1] =	sst s9;
	s0 =	simm.s32 @!p0 $0x0  }
0x12: {  	s1 =	sld [smem:$0x3F97];
	s0 =	simm.s32 @p0 $0x1  }
0x13: {  	[smem:$0x3FB2] =	sst s0;
	s0 =	simm.s32 @!p1 $0x0  }
0x14: {  	s2 =	sld [smem:$0x3F96];
	s0 =	simm.s32 @p1 $0x1  }
0x15: {  	[smem:$0x3FB3] =	sst s0;
	s0 =	simm.s32 @!p2 $0x0  }
0x16: {  	s3 =	sld [smem:$0x3FDB];
	s0 =	simm.s32 @p2 $0x1  }
0x17: {  	s4 =	simm.s32 $0x1BF5;
	[smem:$0x3FB5] =	sst s0  }
0x18: {  	s0 =	sld [smem:$0x3F98];
	_ =	swait.ge [sflag:s4], $0x0  }
0x19: {  	s7 =	sld [smem:$0x3F99]  }
0x1a: {  	s8 =	sadd.s32 $0xFFFFE003, lr  }
0x1b: {  	s9 =	sadd.s32 $0xFFFFFEF7, lr;
	s5 =	simm.s32 $0xFFFFFFFF;
	p2 =	slt.u32 s8, $0xFFFFF086  }
0x1c: {  	p1 =	slt.u32 s9, $0xF7A;
	s5 =	simm.s32 @!p2 $0x0  }
0x1d: {  	s5 =	simm.s32 @p1 $0x1;
	p0 =	seq.s32 s7, s2  }
0x1e: {  	s7 =	smul.u32 @!p0 $0xF7A, s2;
	p2 =	seq.s32 @!p0 s5, $0x0  }
0x1f: {  	s9 =	smul.u32 $0xF7A, s1;
	s8 =	simm.s32 @!p0 $0x1BF5;
	p2 =	por !p2, p0  }
0x20: {  	[sflag:s8] =	ssyncset.s32 @!p0 $0xFFFFF086;
	s6 =	sadd.s32 @!p0 s3, s7;
	s7 =	simm.s32 @!p0 $0x108  }
0x21: {  	s3 =	sadd.s32 s3, s9;
	s6 =	sadd.s32 @!p0 $0x88, s6;
	s7 =	simm.s32 @p2 $0x1082  }
0x22: {  	[simem:s7], [sflag:s8] =	dma.local @!p0 [hbm:s6], $0xF7A  }
0x23: {  	s9 =	sor.u32 $0xD0000000, s2;
	s6 =	simm.s32 $0x108;
	_ =	swait.ge @!p0 [sflag:s8], $0x0  }
0x24: {  	s3 =	sadd.s32 $0x88, s3;
	s6 =	simm.s32 @!p1 $0x1082;
	[sflag:s4] =	ssyncset.s32 $0xFFFFF086  }
0x25: {  	[simem:s6], [sflag:s4] =	dma.local [hbm:s3], $0xF7A  }
0x26: {  	[smem:$0x3F99] =	sst s1;
	(tag) =	ssettag s2;
	_ =	strace s9  }
0x27: {  	s1 =	sld [smem:$0x3FA9]  }
0x28: {  	s2 =	sld [smem:$0x3FAA]  }
0x29: {  	s4 =	sld [smem:$0x3FAC]  }
0x2a: {  	p0 =	seq.s32 s5, $0x0;
	s5 =	sld [smem:$0x3FAD]  }
0x2b: {  	s6 =	sld [smem:$0x3FAE]  }
0x2c: {  	s7 =	sld [smem:$0x3FAF]  }
0x2d: {  	s3 =	simm.s32 $0x108;
	s8 =	sld [smem:$0x3FB0]  }
0x2e: {  	s3 =	simm.s32 @!p0 $0x1082;
	s9 =	sld [smem:$0x3FB1]  }
0x2f: {  	lr =	sadd.s32 s0, s3;
	s0 =	sld [smem:$0x3FA8]  }
0x30: {  	s3 =	sld [smem:$0x3FAB]  }
0x31: {  	[smem:$0x3FB4] =	sst s10  }
0x32: {  	s10 =	sld [smem:$0x3FB2];
	_ =	sdelay $0x3  }
0x33: {  	p0 =	seq.s32 s10, $0x1;
	s10 =	sld [smem:$0x3FB4];
	_ =	sdelay $0x3  }
0x34: {  	[smem:$0x3FB4] =	sst s10  }
0x35: {  	s10 =	sld [smem:$0x3FB3];
	_ =	sdelay $0x3  }
0x36: {  	p1 =	seq.s32 s10, $0x1;
	s10 =	sld [smem:$0x3FB4];
	_ =	sdelay $0x3  }
0x37: {  	[smem:$0x3FB4] =	sst s10  }
0x38: {  	s10 =	sld [smem:$0x3FB5]  }
0x39: {  	_ = 	snop;
	(pc) =	sbr.ind lr, $3  }
0x3a: {  	_ = 	snop  }
0x3b: {  	_ = 	snop  }
0x3c: {  	p2 =	seq.s32 s10, $0x1;
	s10 =	sld [smem:$0x3FB4]  }
0x3d: {  	_ =	shalt  }
0x3e: {  	_ =	shalt  }
0x3f: {  	_ =	shalt  }
0x40: {  	_ =	shalt  }
0x41: {  	_ =	shalt  }
0x42: {  	_ =	shalt  }
0x43: {  	_ =	shalt  }
0x44: {  	_ =	shalt  }
0x45: {  	_ =	shalt  }
0x46: {  	_ =	shalt  }
0x47: {  	_ =	shalt  }
0x48: {  	_ =	shalt  }
0x49: {  	_ =	shalt  }
0x4a: {  	_ =	shalt  }
0x4b: {  	_ =	shalt  }
0x4c: {  	_ =	shalt  }
0x4d: {  	_ =	shalt  }
0x4e: {  	_ =	shalt  }
0x4f: {  	_ =	shalt  }
0x50: {  	_ =	shalt  }
0x51: {  	_ =	shalt  }
0x52: {  	_ =	shalt  }
0x53: {  	_ =	shalt  }
0x54: {  	_ =	shalt  }
0x55: {  	_ =	shalt  }
0x56: {  	_ =	shalt  }
0x57: {  	_ =	shalt  }
0x58: {  	_ =	shalt  }
0x59: {  	_ =	shalt  }
0x5a: {  	_ =	shalt  }
0x5b: {  	_ =	shalt  }
0x5c: {  	_ =	shalt  }
0x5d: {  	_ =	shalt  }
0x5e: {  	_ =	shalt  }
0x5f: {  	_ =	shalt  }
0x60: {  	_ =	shalt  }
0x61: {  	_ =	shalt  }
0x62: {  	_ =	shalt  }
0x63: {  	_ =	shalt  }
0x64: {  	_ =	shalt  }
0x65: {  	_ =	shalt  }
0x66: {  	_ =	shalt  }
0x67: {  	_ =	shalt  }
0x68: {  	_ =	shalt  }
0x69: {  	_ =	shalt  }
0x6a: {  	_ =	shalt  }
0x6b: {  	_ =	shalt  }
0x6c: {  	_ =	shalt  }
0x6d: {  	_ =	shalt  }
0x6e: {  	_ =	shalt  }
0x6f: {  	_ =	shalt  }
0x70: {  	_ =	shalt  }
0x71: {  	_ =	shalt  }
0x72: {  	_ =	shalt  }
0x73: {  	_ =	shalt  }
0x74: {  	_ =	shalt  }
0x75: {  	_ =	shalt  }
0x76: {  	_ =	shalt  }
0x77: {  	_ =	shalt  }
0x78: {  	_ =	shalt  }
0x79: {  	_ =	shalt  }
0x7a: {  	_ =	shalt  }
0x7b: {  	_ =	shalt  }
0x7c: {  	_ =	shalt  }
0x7d: {  	_ =	shalt  }
0x7e: {  	_ =	shalt  }
0x7f: {  	_ =	shalt  }
0x80: {  	_ =	shalt  }
0x81: {  	_ =	shalt  }
0x82: {  	_ =	shalt  }
0x83: {  	_ =	shalt  }
0x84: {  	_ =	shalt  }
0x85: {  	_ =	shalt  }
0x86: {  	_ =	shalt  }
0x87: {  	_ =	shalt  }
.Lfunc_end0:
.L_simem_size_0:
called_computation_lowered:
.L_overlay_start_0:
0x88: {  	s2 =	sld [smem:$0x3FD9]  }
0x89: {  	s3 =	sld [smem:$0x3FFE];
	_ =	sdelay $0x1  }
0x8a: {  	s1 =	srdreg.scid  }
0x8b: {  	s0 =	sand.u32 $0x1, s1  }
0x8c: {  	s16 =	sshll.u32 s0, $0xA;
	s2 =	sadd.s32 s3, s2  }
0x8d: {  	s2 =	sadd.s32 s2, s16  }
0x8e: {  	[smem:$0x3FC0] =	sst s2  }
0x8f: {  	_ = 	snop  }
0x90: {  	(tm) =	ssettm $0x1  }
0x91: {  	s17 =	sld [smem:$0x3FFB];
	_ =	sdelay $0x3  }
0x92: {  	_ =	strace s17  }
0x93: {  	s2 =	sld [smem:$0x3FFC];
	_ =	sdelay $0x3  }
0x94: {  	_ =	strace s2  }
0x95: {  	s2 =	sld [smem:$0x3FFD];
	_ =	sdelay $0x3  }
0x96: {  	_ =	strace s2  }
0x97: {  	_ =	strace $0x8FFFFFFF  }
0x98: {  	s18 =	sld [smem:$0x3FDB];
	_ =	sdelay $0x1  }
0x99: {  	s19 =	simm.s32 $_scs_section_size  }
0x9a: {  	s4 =	simm.s32 $_size__tile_overlayer_lowered;
	s5 =	simm.s32 $_tile_overlayer_lowered  }
0x9b: {  	s22 =	simm.s32 $0x1BFF;
	s21 =	sshll.u32 s5, $0x1;
	s2 =	sadd.s32 s19, s18  }
0x9c: {  	s6 =	simm.s32 $0x0;
	s20 =	sshll.u32 s4, $0x1;
	s4 =	sadd.s32 s21, s2  }
0x9d: {  	[timem:s6], [sflag:s22] =	dma.local [hbm:s4], s20  }
0x9e: {  	_ =	swait.ge [sflag:s22], s20  }
0x9f: {  	s3 =	ssub.s32 $0x0, s20;
	[sflag:s22] =	ssyncset.done $0x0  }
0xa0: {  	[sflag:s22] =	ssyncadd.s32 s3;
	_ =	sdelay $0x1  }
0xa1: {  	s23 =	simm.s32 $0x1B8B  }
0xa2: {  	_ =	swait.ge [sflag:s23], $0x1  }
0xa3: {  	[sflag:s23] =	ssyncset.done $0x0  }
0xa4: {  	s25 =	simm.s32 $0x1B8E;
	s24 =	sld [smem:$0x3FFE];
	[sflag:s23] =	ssyncadd.s32 $0xFFFFFFFF  }
0xa5: {  	s26 =	simm.s32 $execute0_lowered;
	[smem:$0x3FD2] =	sst s25  }
0xa6: {  	s4 =	sshll.u32 s26, $0x1;
	_ =	strace $0x80000046;
	[dreg:$0x1] =	wrdreg $0xFFFFFFFF  }
0xa7: {  	s28 =	simm.s32 $_size_execute0_lowered;
	s2 =	sadd.s32 s2, s4;
	[dreg:$0x0] =	wrdreg $0x0  }
0xa8: {  	s4 =	sshll.u32 s28, $0x1;
	[dreg:$0x2] =	wrdreg s2  }
0xa9: {  	[dreg:$0x3] =	wrdreg s4  }
0xaa: {  	[dreg:$0x4] =	wrdreg $0xC0  }
0xab: {  	_ =	task [dreg:s6], $0x5FFFF  }
0xac: {  	[dreg:$0x1] =	wrdreg $0xFFFFFFFF  }
0xad: {  	[dreg:$0x0] =	wrdreg $0x60  }
0xae: {  	[dreg:$0x2] =	wrdreg s24  }
0xaf: {  	[dreg:$0x3] =	wrdreg $0x9  }
0xb0: {  	_ =	task.clear_ibuf [dreg:s6], $0x4FFFF;
	_ =	strace $0x90000046  }
0xb1: {  	s29 =	simm.s32 $0x9;
	_ =	strace $0x80000048  }
0xb2: {  	_ =	swait.ge [sflag:s29], $0x1  }
0xb3: {  	[sflag:s29] =	ssyncadd.s32 $0xFFFFFFFF  }
0xb4: {  	_ =	strace $0x90000048  }
0xb5: {  	_ =	sfence  }
0xb6: {  	s30 =	sld [smem:$0x0];
	_ =	sdelay $0x2  }
0xb7: {  	s31 =	sshll.u32 s1, $0xD;
	s1 =	sshrl.u32 s1, $0x2  }
0xb8: {  	s3 =	sand.u32 $0x4000, s31;
	s1 =	sadd.s32 s1, s30  }
0xb9: {  	s0 =	sor.u32 s3, s0;
	s1 =	sshll.u32 s1, $0x11  }
0xba: {  	s0 =	sor.u32 s1, s0  }
0xbb: {  	s0 =	sadd.s32 $0x8F2B, s0  }
0xbc: {  	[sflag:s0] =	ssyncadd.remote.s32 $0x1  }
0xbd: {  	_ =	sfence.sel $0xFFFF  }
0xbe: {  	[dreg:$0x0] =	wrdreg $0xFFFFFFFF;
	(pc) =	sbr.abs _section_cstart, $3  }
0xbf: {  	[dreg:$0x1] =	wrdreg $0xFFFFFFFF  }
0xc0: {  	_ =	task.clear_ibuf [dreg:s6], $0x2FFFF;
	_ =	strace $0x9FFFFFFF  }
0xc1: {  	(tm) =	ssettm $0x7FFFFFFF  }
tec
execute0_lowered:
.L_overlay_start_1:
0x0: {  	(tag) =	ssettag $0x1  }
0x1: {  	s1 =	srdreg.scid  }
0x2: {  	s0 =	stileid.u32;
	s4 =	rddreg [dreg:$0x0];
	s2 =	simm.s32 $0x0  }
0x3: {  	s9 =	simm.s32 $0x6400;
	s10 =	simm.s32 $0x60;
	s11 =	simm.s32 $0x7E00  }
0x4: {  	s12 =	simm.s32 $0x9600;
	s13 =	simm.s32 $0xB000;
	s14 =	simm.s32 $0x1  }
0x5: {  	s15 =	simm.s32 $0x2;
	s16 =	simm.s32 $0x3;
	s17 =	simm.s32 $0x4  }
0x6: {  	s18 =	simm.s32 $0xC800;
	s5 =	sand.u32 $0x1, s1;
	s1 =	rddreg [dreg:$0x1]  }
0x7: {  	s19 =	simm.s32 $0x0;
	s3 =	sshll.u32 s0, $0x1;
	[smem:$0x7FF] =	sst s2  }
0x8: {  	s6 =	sor.u32 s5, s3;
	_ =	strace $0x80000047;
	s5 =	ssub.s32 $0x2, s5  }
0x9: {  	s7 =	smul.u32 $0xC80, s6;
	s6 =	sshll.u32 s6, $0xB;
	s8 =	sshrl.u32 s5, $0x1  }
0xa: {  	s3 =	sadd.s32 $0x1A200, s4;
	s6 =	sadd.s32 s6, s4;
	s8 =	ssub.s32 s5, s8  }
0xb: {  	s7 =	sadd.s32 s7, s4;
	s5 =	sadd.s32 $0xDD800, s6;
	s6 =	smax.u32 s8, $0x1  }
0xc: {  	s8 =	simm.s32 $0x68;
	s4 =	sadd.s32 $0x1200, s7;
	s7 =	simm.s32 $0x5  }
.LBB2_1:
0xd: {  	[tilespmem:s2], [sflag:$0x5] =	stream.linear.gather [hbm4b:s4+s2], $0x6400, $0x38;
	[tilespmem:$0x10800] =	vst v63  }
0xe: {  	_ =	swait.ge [sflag:s7], $0x6400  }
0xf: {  	[sflag:s7] =	ssyncset.done $0x0  }
0x10: {  	[sflag:s7] =	ssyncadd.s32 $0xFFFF9C00  }
0x11: {  	[tilespmem:s9], [sflag:$0x1] =	stream.indirect.gather [hbm4b:s3+s8], $0x40, s2, s8, $0xb8;
	[tilespmem:$0x10800] =	vst v63  }
0x12: {  	s20 =	simm.s32 $0x0  }
0x13: {  	[tilespmem:s11], [sflag:$0x2] =	stream.indirect.gather [hbm4b:s3+s10], $0x40, s8, s10, $0xb8;
	[tilespmem:$0x10800] =	vst v63  }
.LBB2_2:
0x14: {  	s21 =	sshllo.u32 s20, $0x1  }
0x15: {  	s22 =	smul.u32 $0x320, s21;
	_ =	sdelay $0x1  }
0x16: {  	s22 =	sshra.s32 s22, $0x2  }
0x17: {  	[tilespmem:s12], [sflag:$0x3] =	stream.indirect.gather [hbm4b:s3+s8], $0x40, s22, s8, $0xb8;
	[tilespmem:$0x10800] =	vst v63  }
0x18: {  	s22 =	sadd.s32 $0x68, s22  }
0x19: {  	[tilespmem:s13], [sflag:$0x4] =	stream.indirect.gather [hbm4b:s3+s10], $0x40, s22, s10, $0xb8;
	[tilespmem:$0x10800] =	vst v63  }
0x1a: {  	_ =	swait.ge [sflag:s14], $0x1A00  }
0x1b: {  	[sflag:s14] =	ssyncset.done $0x0  }
0x1c: {  	[sflag:s14] =	ssyncadd.s32 $0xFFFFE600  }
0x1d: {  	_ =	swait.ge [sflag:s15], $0x1800  }
0x1e: {  	[sflag:s15] =	ssyncset.done $0x0  }
0x1f: {  	s22 =	simm.s32 $0x0;
	[sflag:s15] =	ssyncadd.s32 $0xFFFFE800  }
0x20: {  	v0 =	vld [tilespmem:s22+$0x7E00]  }
0x21: {  	v1 =	vld [tilespmem:s22+$0x7E10]  }
0x22: {  	v2 =	vld [tilespmem:s22+$0x7E20]  }
0x23: {  	v16 =	vld [tilespmem:s22+$0x6400]  }
0x24: {  	v6 =	vimm.f32 $0.0e+00;
	v14 =	vimm.f32 $0.0e+00;
	v17 =	vld [tilespmem:s22+$0x6410]  }
0x25: {  	v10 =	vimm.f32 $0.0e+00;
	v11 =	vimm.f32 $0.0e+00;
	v5 =	vimm.f32 $0.0e+00  }
0x26: {  	v3 =	vimm.f32 $0.0e+00;
	v4 =	vimm.f32 $0.0e+00;
	v15 =	vld [tilespmem:s22+$0x6420];
	v12 =	vshll.u32 v0, $0x10  }
0x27: {  	v13 =	vand.u32 $0xFFFF0000, v0;
	v7 =	vshll.u32 v1, $0x10;
	v9 =	vand.u32 $0xFFFF0000, v1  }
0x28: {  	s23 =	simm.s32 $0x100;
	v8 =	vld [tilespmem:s22+$0x6430];
	v0 =	vshll.u32 v2, $0x10;
	v1 =	vand.u32 $0xFFFF0000, v2;
	v2 =	vimm.f32 $0.0e+00  }
.LBB2_3:
0x29: {  	p0 =	sne.s32 s23, $0x5F00;
	v18 =	vshll.u32 v16, $0x10;
	v16 =	vand.u32 $0xFFFF0000, v16;
	v19 =	vshll.u32 v17, $0x10  }
0x2a: {  	v6 =	vadd.f32 v18, v6;
	v14 =	vadd.f32 v16, v14;
	v16 =	vand.u32 $0xFFFF0000, v17;
	v18 =	vld [tilespmem:s22+$0x7E30];
	s22 =	sshra.s32 s23, $0x2  }
0x2b: {  	v10 =	vadd.f32 v19, v10;
	v20 =	vld [tilespmem:s22+$0x7E00];
	v11 =	vadd.f32 v16, v11;
	v17 =	vshll.u32 v15, $0x10  }
0x2c: {  	v15 =	vand.u32 $0xFFFF0000, v15;
	v19 =	vld [tilespmem:s22+$0x7E10];
	v6 =	vadd.f32 v12, v6;
	v14 =	vadd.f32 v13, v14  }
0x2d: {  	v10 =	vadd.f32 v7, v10;
	v21 =	vld [tilespmem:s22+$0x7E20];
	v12 =	vshll.u32 v8, $0x10;
	v11 =	vadd.f32 v9, v11  }
0x2e: {  	v2 =	vadd.f32 v17, v2;
	v5 =	vadd.f32 v15, v5;
	v7 =	vand.u32 $0xFFFF0000, v8;
	v16 =	vld [tilespmem:s22+$0x6400]  }
.Ltmp0:
0x2f: {  	v3 =	vadd.f32 v12, v3;
	v4 =	vadd.f32 v7, v4;
	v17 =	vld [tilespmem:s22+$0x6410];
	v7 =	vshll.u32 v18, $0x10;
	(pc) =	sbr.rel @p0 .LBB2_3-.Ltmp0, $4  }
0x30: {  	v2 =	vadd.f32 v0, v2;
	v5 =	vadd.f32 v1, v5;
	v0 =	vand.u32 $0xFFFF0000, v18  }
0x31: {  	v3 =	vadd.f32 v7, v3;
	v4 =	vadd.f32 v0, v4;
	v15 =	vld [tilespmem:s22+$0x6420]  }
0x32: {  	v12 =	vshll.u32 v20, $0x10;
	v13 =	vand.u32 $0xFFFF0000, v20;
	v7 =	vshll.u32 v19, $0x10  }
0x33: {  	s23 =	sadd.s32 $0x100, s23;
	v9 =	vand.u32 $0xFFFF0000, v19;
	v0 =	vshll.u32 v21, $0x10;
	v1 =	vand.u32 $0xFFFF0000, v21;
	v8 =	vld [tilespmem:s22+$0x6430]  }
0x34: {  	v18 =	vshll.u32 v16, $0x10  }
0x35: {  	v16 =	vand.u32 $0xFFFF0000, v16;
	v19 =	vshll.u32 v17, $0x10;
	v6 =	vadd.f32 v18, v6  }
0x36: {  	v14 =	vadd.f32 v16, v14;
	v16 =	vand.u32 $0xFFFF0000, v17;
	v10 =	vadd.f32 v19, v10  }
0x37: {  	v17 =	vld [tilespmem:s22+$0x7E30];
	v11 =	vadd.f32 v16, v11;
	v16 =	vshll.u32 v15, $0x10;
	v6 =	vadd.f32 v12, v6  }
0x38: {  	v15 =	vand.u32 $0xFFFF0000, v15;
	v12 =	vadd.f32 v13, v14;
	v13 =	vld [tilespmem:$0x7C00];
	v7 =	vadd.f32 v7, v10  }
0x39: {  	v2 =	vadd.f32 v16, v2;
	v5 =	vadd.f32 v15, v5  }
0x3a: {  	v10 =	vld [tilespmem:$0x7C10];
	v14 =	vshll.u32 v8, $0x10;
	v9 =	vadd.f32 v9, v11;
	v8 =	vand.u32 $0xFFFF0000, v8  }
0x3b: {  	v3 =	vadd.f32 v14, v3;
	v4 =	vadd.f32 v8, v4;
	v8 =	vld [tilespmem:$0x7C20]  }
0x3c: {  	v0 =	vadd.f32 v0, v2;
	v1 =	vadd.f32 v1, v5;
	v2 =	vld [tilespmem:$0x7C30];
	v11 =	vshll.u32 v17, $0x10  }
0x3d: {  	v5 =	vand.u32 $0xFFFF0000, v17;
	v3 =	vadd.f32 v11, v3;
	v11 =	vshll.u32 v13, $0x10  }
0x3e: {  	v4 =	vadd.f32 v5, v4;
	v5 =	vand.u32 $0xFFFF0000, v13;
	v6 =	vadd.f32 v11, v6;
	v11 =	vld [tilespmem:$0x7C40]  }
0x3f: {  	v13 =	vld [tilespmem:$0x7C50];
	v5 =	vadd.f32 v5, v12;
	v12 =	vshll.u32 v10, $0x10;
	v10 =	vand.u32 $0xFFFF0000, v10  }
0x40: {  	v7 =	vadd.f32 v12, v7;
	v9 =	vadd.f32 v10, v9;
	v10 =	vshll.u32 v8, $0x10;
	v12 =	vld [tilespmem:$0x7C60]  }
0x41: {  	v8 =	vand.u32 $0xFFFF0000, v8;
	v0 =	vadd.f32 v10, v0;
	v10 =	vshll.u32 v2, $0x10  }
0x42: {  	v1 =	vadd.f32 v8, v1;
	v2 =	vand.u32 $0xFFFF0000, v2;
	v8 =	vld [tilespmem:$0x7C70];
	v3 =	vadd.f32 v10, v3  }
0x43: {  	v2 =	vadd.f32 v2, v4;
	v4 =	vshll.u32 v11, $0x10;
	v10 =	vand.u32 $0xFFFF0000, v11;
	v11 =	vld [tilespmem:$0x7C80]  }
0x44: {  	v4 =	vadd.f32 v4, v6;
	v5 =	vadd.f32 v10, v5;
	v6 =	vshll.u32 v13, $0x10;
	v10 =	vld [tilespmem:$0x7C90]  }
0x45: {  	v13 =	vand.u32 $0xFFFF0000, v13;
	v6 =	vadd.f32 v6, v7;
	v7 =	vshll.u32 v12, $0x10  }
0x46: {  	v9 =	vadd.f32 v13, v9;
	v12 =	vand.u32 $0xFFFF0000, v12;
	v0 =	vadd.f32 v7, v0;
	v7 =	vld [tilespmem:$0x7CA0]  }
0x47: {  	v13 =	vld [tilespmem:$0x7CB0];
	v1 =	vadd.f32 v12, v1;
	v12 =	vshll.u32 v8, $0x10;
	v8 =	vand.u32 $0xFFFF0000, v8  }
0x48: {  	v3 =	vadd.f32 v12, v3;
	v2 =	vadd.f32 v8, v2;
	v12 =	vld [tilespmem:$0x7CC0];
	v8 =	vshll.u32 v11, $0x10  }
0x49: {  	v11 =	vand.u32 $0xFFFF0000, v11;
	v4 =	vadd.f32 v8, v4;
	v8 =	vshll.u32 v10, $0x10  }
0x4a: {  	v5 =	vadd.f32 v11, v5;
	v10 =	vand.u32 $0xFFFF0000, v10;
	v6 =	vadd.f32 v8, v6;
	v8 =	vld [tilespmem:$0x7CD0]  }
0x4b: {  	v11 =	vld [tilespmem:$0x7CE0];
	v9 =	vadd.f32 v10, v9;
	v10 =	vshll.u32 v7, $0x10;
	v7 =	vand.u32 $0xFFFF0000, v7  }
0x4c: {  	v0 =	vadd.f32 v10, v0;
	v1 =	vadd.f32 v7, v1;
	v7 =	vshll.u32 v13, $0x10;
	v10 =	vld [tilespmem:$0x7CF0]  }
0x4d: {  	v13 =	vand.u32 $0xFFFF0000, v13;
	v3 =	vadd.f32 v7, v3;
	v7 =	vshll.u32 v12, $0x10  }
0x4e: {  	v2 =	vadd.f32 v13, v2;
	v12 =	vand.u32 $0xFFFF0000, v12;
	v4 =	vadd.f32 v7, v4;
	v7 =	vld [tilespmem:$0x7D00]  }
0x4f: {  	v13 =	vld [tilespmem:$0x7D10];
	v5 =	vadd.f32 v12, v5;
	v12 =	vshll.u32 v8, $0x10;
	v8 =	vand.u32 $0xFFFF0000, v8  }
0x50: {  	v6 =	vadd.f32 v12, v6;
	v8 =	vadd.f32 v8, v9;
	v9 =	vshll.u32 v11, $0x10;
	v12 =	vld [tilespmem:$0x7D20]  }
0x51: {  	v11 =	vand.u32 $0xFFFF0000, v11;
	v0 =	vadd.f32 v9, v0;
	v9 =	vshll.u32 v10, $0x10  }
0x52: {  	v1 =	vadd.f32 v11, v1;
	v10 =	vand.u32 $0xFFFF0000, v10;
	v3 =	vadd.f32 v9, v3;
	v9 =	vld [tilespmem:$0x7D30]  }
0x53: {  	v11 =	vld [tilespmem:$0x7D40];
	v2 =	vadd.f32 v10, v2;
	v10 =	vshll.u32 v7, $0x10;
	v7 =	vand.u32 $0xFFFF0000, v7  }
0x54: {  	v4 =	vadd.f32 v10, v4;
	v5 =	vadd.f32 v7, v5;
	v7 =	vshll.u32 v13, $0x10;
	v10 =	vld [tilespmem:$0x7D50]  }
0x55: {  	v13 =	vand.u32 $0xFFFF0000, v13;
	v6 =	vadd.f32 v7, v6;
	v7 =	vshll.u32 v12, $0x10  }
0x56: {  	v8 =	vadd.f32 v13, v8;
	v12 =	vand.u32 $0xFFFF0000, v12;
	v0 =	vadd.f32 v7, v0;
	v7 =	vld [tilespmem:$0x7D60]  }
0x57: {  	v13 =	vld [tilespmem:$0x7D70];
	v1 =	vadd.f32 v12, v1;
	v12 =	vshll.u32 v9, $0x10;
	v9 =	vand.u32 $0xFFFF0000, v9  }
0x58: {  	v3 =	vadd.f32 v12, v3;
	v2 =	vadd.f32 v9, v2;
	v9 =	vshll.u32 v11, $0x10;
	v12 =	vld [tilespmem:$0x7D80]  }
0x59: {  	v11 =	vand.u32 $0xFFFF0000, v11;
	v4 =	vadd.f32 v9, v4;
	v9 =	vshll.u32 v10, $0x10  }
0x5a: {  	v5 =	vadd.f32 v11, v5;
	v10 =	vand.u32 $0xFFFF0000, v10;
	v6 =	vadd.f32 v9, v6;
	v9 =	vld [tilespmem:$0x7D90]  }
0x5b: {  	v11 =	vld [tilespmem:$0x7DA0];
	v8 =	vadd.f32 v10, v8;
	v10 =	vshll.u32 v7, $0x10;
	v7 =	vand.u32 $0xFFFF0000, v7  }
0x5c: {  	v0 =	vadd.f32 v10, v0;
	v1 =	vadd.f32 v7, v1;
	v7 =	vshll.u32 v13, $0x10;
	v10 =	vld [tilespmem:$0x7DC0]  }
0x5d: {  	v13 =	vand.u32 $0xFFFF0000, v13;
	v3 =	vadd.f32 v7, v3;
	v7 =	vshll.u32 v12, $0x10  }
0x5e: {  	v2 =	vadd.f32 v13, v2;
	v12 =	vand.u32 $0xFFFF0000, v12;
	v4 =	vadd.f32 v7, v4;
	v7 =	vld [tilespmem:$0x7DD0]  }
0x5f: {  	v13 =	vld [tilespmem:$0x7DB0];
	v5 =	vadd.f32 v12, v5;
	v12 =	vshll.u32 v9, $0x10;
	v9 =	vand.u32 $0xFFFF0000, v9  }
0x60: {  	v6 =	vadd.f32 v12, v6;
	v8 =	vadd.f32 v9, v8;
	v9 =	vld [tilespmem:$0x7DE0]  }
0x61: {  	v12 =	vshll.u32 v11, $0x10;
	v11 =	vand.u32 $0xFFFF0000, v11;
	v14 =	vshll.u32 v10, $0x10  }
0x62: {  	s31 =	sshll.u32 s20, $0x8;
	v0 =	vadd.f32 v12, v0;
	v10 =	vand.u32 $0xFFFF0000, v10;
	v12 =	vld [tilespmem:$0x7DF0];
	v4 =	vadd.f32 v14, v4  }
0x63: {  	s22 =	sand.u32 $0x3FFFFF00, s31;
	v1 =	vadd.f32 v11, v1;
	v5 =	vadd.f32 v10, v5;
	v10 =	vshll.u32 v7, $0x10  }
0x64: {  	v11 =	vshll.u32 v13, $0x10;
	v7 =	vand.u32 $0xFFFF0000, v7;
	v6 =	vadd.f32 v10, v6;
	[tilespmem:s22+$0xC800] =	vst v4  }
0x65: {  	v3 =	vadd.f32 v11, v3;
	v7 =	vadd.f32 v7, v8;
	[tilespmem:s22+$0xC840] =	vst v5;
	v8 =	vshll.u32 v9, $0x10  }
0x66: {  	v4 =	vand.u32 $0xFFFF0000, v13;
	v5 =	vand.u32 $0xFFFF0000, v9;
	v0 =	vadd.f32 v8, v0;
	[tilespmem:s22+$0xC810] =	vst v6  }
0x67: {  	p0 =	seq.s32 s20, $0x3F;
	v2 =	vadd.f32 v4, v2;
	v1 =	vadd.f32 v5, v1;
	v4 =	vshll.u32 v12, $0x10;
	[tilespmem:s22+$0xC850] =	vst v7  }
0x68: {  	s23 =	smul.u32 @!p0 $0x640, s20;
	v5 =	vand.u32 $0xFFFF0000, v12;
	v3 =	vadd.f32 v4, v3;
	[tilespmem:s22+$0xC820] =	vst v0  }
0x69: {  	v0 =	vadd.f32 v5, v2;
	[tilespmem:s22+$0xC860] =	vst v1  }
0x6a: {  	s23 =	sshra.s32 @!p0 s23, $0x2;
	[tilespmem:s22+$0xC830] =	vst v3  }
0x6b: {  	s24 =	simm.s32 @!p0 $0x68;
	s25 =	simm.s32 @!p0 $0x6400;
	[tilespmem:s22+$0xC870] =	vst v0;
	s22 =	sadd.s32 @!p0 $0x190, s23  }
0x6c: {  	[tilespmem:s25], [sflag:$0x1] =	stream.indirect.gather @!p0 [hbm4b:s3+s24], $0x40, s22, s24, $0xb8;
	[tilespmem:$0x10800] =	vst v63  }
0x6d: {  	s22 =	sadd.s32 @!p0 $0x1F8, s23;
	s23 =	simm.s32 @!p0 $0x60;
	s24 =	simm.s32 @!p0 $0x7E00  }
0x6e: {  	[tilespmem:s24], [sflag:$0x2] =	stream.indirect.gather @!p0 [hbm4b:s3+s23], $0x40, s22, s23, $0xb8;
	[tilespmem:$0x10800] =	vst v63  }
0x6f: {  	_ =	swait.ge [sflag:s16], $0x1A00  }
0x70: {  	[sflag:s16] =	ssyncset.done $0x0  }
0x71: {  	[sflag:s16] =	ssyncadd.s32 $0xFFFFE600  }
0x72: {  	_ =	swait.ge [sflag:s17], $0x1800  }
0x73: {  	[sflag:s17] =	ssyncset.done $0x0  }
0x74: {  	s22 =	simm.s32 $0x0;
	[sflag:s17] =	ssyncadd.s32 $0xFFFFE800  }
0x75: {  	v0 =	vld [tilespmem:s22+$0xB000]  }
0x76: {  	v1 =	vld [tilespmem:s22+$0xB010]  }
0x77: {  	v2 =	vld [tilespmem:s22+$0xB020]  }
0x78: {  	v16 =	vld [tilespmem:s22+$0x9600]  }
0x79: {  	v14 =	vimm.f32 $0.0e+00;
	v11 =	vimm.f32 $0.0e+00;
	v17 =	vld [tilespmem:s22+$0x9610]  }
0x7a: {  	v10 =	vimm.f32 $0.0e+00;
	v6 =	vimm.f32 $0.0e+00;
	v4 =	vimm.f32 $0.0e+00  }
0x7b: {  	v5 =	vimm.f32 $0.0e+00;
	v3 =	vimm.f32 $0.0e+00;
	v15 =	vld [tilespmem:s22+$0x9620];
	v12 =	vshll.u32 v0, $0x10  }
0x7c: {  	v13 =	vand.u32 $0xFFFF0000, v0;
	v7 =	vshll.u32 v1, $0x10;
	v9 =	vand.u32 $0xFFFF0000, v1  }
0x7d: {  	s23 =	simm.s32 $0x100;
	v8 =	vld [tilespmem:s22+$0x9630];
	v0 =	vshll.u32 v2, $0x10;
	v1 =	vand.u32 $0xFFFF0000, v2;
	v2 =	vimm.f32 $0.0e+00  }
.LBB2_5:
0x7e: {  	p0 =	sne.s32 s23, $0x5F00;
	v18 =	vshll.u32 v16, $0x10;
	v16 =	vand.u32 $0xFFFF0000, v16;
	v19 =	vshll.u32 v17, $0x10  }
0x7f: {  	v6 =	vadd.f32 v18, v6;
	v14 =	vadd.f32 v16, v14;
	v16 =	vand.u32 $0xFFFF0000, v17;
	v18 =	vld [tilespmem:s22+$0xB030];
	s22 =	sshra.s32 s23, $0x2  }
0x80: {  	v10 =	vadd.f32 v19, v10;
	v20 =	vld [tilespmem:s22+$0xB000];
	v11 =	vadd.f32 v16, v11;
	v17 =	vshll.u32 v15, $0x10  }
0x81: {  	v15 =	vand.u32 $0xFFFF0000, v15;
	v19 =	vld [tilespmem:s22+$0xB010];
	v6 =	vadd.f32 v12, v6;
	v14 =	vadd.f32 v13, v14  }
0x82: {  	v10 =	vadd.f32 v7, v10;
	v21 =	vld [tilespmem:s22+$0xB020];
	v12 =	vshll.u32 v8, $0x10;
	v11 =	vadd.f32 v9, v11  }
0x83: {  	v2 =	vadd.f32 v17, v2;
	v5 =	vadd.f32 v15, v5;
	v7 =	vand.u32 $0xFFFF0000, v8;
	v16 =	vld [tilespmem:s22+$0x9600]  }
.Ltmp1:
0x84: {  	v3 =	vadd.f32 v12, v3;
	v4 =	vadd.f32 v7, v4;
	v17 =	vld [tilespmem:s22+$0x9610];
	v7 =	vshll.u32 v18, $0x10;
	(pc) =	sbr.rel @p0 .LBB2_5-.Ltmp1, $4  }
0x85: {  	v2 =	vadd.f32 v0, v2;
	v5 =	vadd.f32 v1, v5;
	v0 =	vand.u32 $0xFFFF0000, v18  }
0x86: {  	v3 =	vadd.f32 v7, v3;
	v4 =	vadd.f32 v0, v4;
	v15 =	vld [tilespmem:s22+$0x9620]  }
0x87: {  	v12 =	vshll.u32 v20, $0x10;
	v13 =	vand.u32 $0xFFFF0000, v20;
	v7 =	vshll.u32 v19, $0x10  }
0x88: {  	s23 =	sadd.s32 $0x100, s23;
	v9 =	vand.u32 $0xFFFF0000, v19;
	v0 =	vshll.u32 v21, $0x10;
	v1 =	vand.u32 $0xFFFF0000, v21;
	v8 =	vld [tilespmem:s22+$0x9630]  }
0x89: {  	v34 =	vld [tilespmem:s22+$0xB030]  }
0x8a: {  	v38 =	vld [tilespmem:$0xAE00]  }
0x8b: {  	v41 =	vld [tilespmem:$0xAE10]  }
0x8c: {  	v42 =	vld [tilespmem:$0xAE20]  }
0x8d: {  	v44 =	vld [tilespmem:$0xAE30]  }
0x8e: {  	v48 =	vld [tilespmem:$0xAE40]  }
0x8f: {  	v18 =	vshll.u32 v16, $0x10;
	v50 =	vld [tilespmem:$0xAE50]  }
0x90: {  	v32 =	vand.u32 $0xFFFF0000, v16;
	v19 =	vshll.u32 v17, $0x10;
	v52 =	vld [tilespmem:$0xAE60];
	v6 =	vadd.f32 v18, v6  }
0x91: {  	v33 =	vand.u32 $0xFFFF0000, v17;
	v54 =	vld [tilespmem:$0xAE70];
	v14 =	vadd.f32 v32, v14;
	v10 =	vadd.f32 v19, v10  }
0x92: {  	v57 =	vld [tilespmem:$0xAE80];
	v11 =	vadd.f32 v33, v11;
	v35 =	vshll.u32 v15, $0x10;
	v6 =	vadd.f32 v12, v6  }
0x93: {  	v59 =	vld [tilespmem:$0xAE90];
	v36 =	vand.u32 $0xFFFF0000, v15;
	v37 =	vadd.f32 v13, v14;
	v7 =	vadd.f32 v7, v10  }
0x94: {  	v61 =	vld [tilespmem:$0xAEA0];
	v9 =	vadd.f32 v9, v11;
	v2 =	vadd.f32 v35, v2;
	v39 =	vshll.u32 v8, $0x10  }
0x95: {  	v63 =	vld [tilespmem:$0xAEB0];
	v5 =	vadd.f32 v36, v5;
	v40 =	vand.u32 $0xFFFF0000, v8;
	v3 =	vadd.f32 v39, v3  }
0x96: {  	v17 =	vld [tilespmem:$0xAEC0];
	v4 =	vadd.f32 v40, v4;
	v43 =	vshll.u32 v34, $0x10;
	v0 =	vadd.f32 v0, v2  }
0x97: {  	v21 =	vld [tilespmem:$0xAEE0];
	v1 =	vadd.f32 v1, v5;
	v45 =	vand.u32 $0xFFFF0000, v34;
	v46 =	vshll.u32 v38, $0x10  }
0x98: {  	v23 =	vld [tilespmem:$0xAEF0];
	v47 =	vand.u32 $0xFFFF0000, v38;
	v49 =	vshll.u32 v41, $0x10;
	v10 =	vand.u32 $0xFFFF0000, v41  }
0x99: {  	v25 =	vld [tilespmem:$0xAF00];
	v51 =	vshll.u32 v42, $0x10;
	v8 =	vand.u32 $0xFFFF0000, v42;
	v53 =	vshll.u32 v44, $0x10  }
0x9a: {  	v27 =	vld [tilespmem:$0xAF10];
	v2 =	vand.u32 $0xFFFF0000, v44;
	v55 =	vshll.u32 v48, $0x10;
	v56 =	vand.u32 $0xFFFF0000, v48  }
0x9b: {  	v29 =	vld [tilespmem:$0xAF20];
	v58 =	vshll.u32 v50, $0x10;
	v13 =	vand.u32 $0xFFFF0000, v50;
	v60 =	vshll.u32 v52, $0x10  }
0x9c: {  	v31 =	vld [tilespmem:$0xAF30];
	v12 =	vand.u32 $0xFFFF0000, v52;
	v62 =	vshll.u32 v54, $0x10;
	v16 =	vshll.u32 v57, $0x10  }
0x9d: {  	v11 =	vand.u32 $0xFFFF0000, v57;
	v18 =	vshll.u32 v59, $0x10;
	v20 =	vshll.u32 v61, $0x10  }
0x9e: {  	v19 =	vld [tilespmem:$0xAED0];
	v22 =	vshll.u32 v63, $0x10;
	v24 =	vshll.u32 v17, $0x10;
	v28 =	vshll.u32 v21, $0x10  }
0x9f: {  	v33 =	vld [tilespmem:$0xAF40];
	v30 =	vshll.u32 v23, $0x10;
	v32 =	vshll.u32 v25, $0x10;
	v34 =	vshll.u32 v27, $0x10  }
0xa0: {  	v36 =	vshll.u32 v29, $0x10;
	v6 =	vadd.f32 v46, v6;
	v5 =	vadd.f32 v47, v37  }
0xa1: {  	v38 =	vshll.u32 v31, $0x10;
	v7 =	vadd.f32 v49, v7;
	v9 =	vadd.f32 v10, v9  }
0xa2: {  	v35 =	vld [tilespmem:$0xAF50];
	v10 =	vand.u32 $0xFFFF0000, v59;
	v3 =	vadd.f32 v43, v3;
	v4 =	vadd.f32 v45, v4  }
0xa3: {  	v26 =	vshll.u32 v19, $0x10;
	v0 =	vadd.f32 v51, v0;
	v1 =	vadd.f32 v8, v1  }
0xa4: {  	v39 =	vld [tilespmem:$0xAF70];
	v40 =	vshll.u32 v33, $0x10;
	v5 =	vadd.f32 v56, v5;
	v9 =	vadd.f32 v13, v9  }
0xa5: {  	v41 =	vld [tilespmem:$0xAF80];
	v8 =	vand.u32 $0xFFFF0000, v54;
	v3 =	vadd.f32 v53, v3;
	v2 =	vadd.f32 v2, v4  }
0xa6: {  	v52 =	vld [tilespmem:$0xAFE0];
	v13 =	vand.u32 $0xFFFF0000, v63;
	v4 =	vadd.f32 v55, v6;
	v6 =	vadd.f32 v58, v7  }
0xa7: {  	v42 =	vshll.u32 v35, $0x10;
	v0 =	vadd.f32 v60, v0;
	v1 =	vadd.f32 v12, v1  }
0xa8: {  	v7 =	vand.u32 $0xFFFF0000, v61;
	v12 =	vand.u32 $0xFFFF0000, v17;
	v5 =	vadd.f32 v11, v5  }
0xa9: {  	v37 =	vld [tilespmem:$0xAF60];
	v9 =	vadd.f32 v10, v9;
	v11 =	vand.u32 $0xFFFF0000, v21;
	v10 =	vand.u32 $0xFFFF0000, v23  }
0xaa: {  	v47 =	vld [tilespmem:$0xAFC0];
	v46 =	vshll.u32 v39, $0x10;
	v48 =	vshll.u32 v41, $0x10;
	v3 =	vadd.f32 v62, v3  }
0xab: {  	v49 =	vld [tilespmem:$0xAFD0];
	v59 =	vshll.u32 v52, $0x10;
	v2 =	vadd.f32 v8, v2;
	v4 =	vadd.f32 v16, v4  }
0xac: {  	v60 =	vand.u32 $0xFFFF0000, v52;
	v6 =	vadd.f32 v18, v6;
	v0 =	vadd.f32 v20, v0  }
0xad: {  	v1 =	vadd.f32 v7, v1;
	v8 =	vand.u32 $0xFFFF0000, v19;
	v7 =	vand.u32 $0xFFFF0000, v25  }
0xae: {  	v44 =	vshll.u32 v37, $0x10;
	v5 =	vadd.f32 v12, v5;
	v8 =	vadd.f32 v8, v9  }
0xaf: {  	v54 =	vshll.u32 v47, $0x10;
	v3 =	vadd.f32 v22, v3;
	v2 =	vadd.f32 v13, v2  }
0xb0: {  	v56 =	vshll.u32 v49, $0x10;
	v4 =	vadd.f32 v24, v4;
	v6 =	vadd.f32 v26, v6  }
0xb1: {  	v43 =	vld [tilespmem:$0xAF90];
	v0 =	vadd.f32 v28, v0;
	v1 =	vadd.f32 v11, v1;
	v13 =	vand.u32 $0xFFFF0000, v27  }
0xb2: {  	v12 =	vand.u32 $0xFFFF0000, v29;
	v5 =	vadd.f32 v7, v5;
	v8 =	vadd.f32 v13, v8  }
0xb3: {  	v9 =	vand.u32 $0xFFFF0000, v31;
	v3 =	vadd.f32 v30, v3;
	v2 =	vadd.f32 v10, v2  }
0xb4: {  	v11 =	vand.u32 $0xFFFF0000, v33;
	v4 =	vadd.f32 v32, v4;
	v6 =	vadd.f32 v34, v6  }
0xb5: {  	v0 =	vadd.f32 v36, v0;
	v1 =	vadd.f32 v12, v1;
	v10 =	vand.u32 $0xFFFF0000, v35  }
0xb6: {  	v50 =	vshll.u32 v43, $0x10;
	v5 =	vadd.f32 v11, v5;
	v8 =	vadd.f32 v10, v8  }
0xb7: {  	v7 =	vand.u32 $0xFFFF0000, v37;
	v3 =	vadd.f32 v38, v3;
	v2 =	vadd.f32 v9, v2  }
0xb8: {  	v45 =	vld [tilespmem:$0xAFA0];
	v12 =	vand.u32 $0xFFFF0000, v41;
	v4 =	vadd.f32 v40, v4;
	v6 =	vadd.f32 v42, v6  }
0xb9: {  	v0 =	vadd.f32 v44, v0;
	v1 =	vadd.f32 v7, v1;
	v9 =	vand.u32 $0xFFFF0000, v43  }
0xba: {  	v51 =	vld [tilespmem:$0xAFB0];
	v13 =	vand.u32 $0xFFFF0000, v39;
	v5 =	vadd.f32 v12, v5;
	v8 =	vadd.f32 v9, v8  }
0xbb: {  	v10 =	vand.u32 $0xFFFF0000, v47;
	v3 =	vadd.f32 v46, v3;
	v2 =	vadd.f32 v13, v2  }
0xbc: {  	s21 =	sshll.u32 s21, $0x7;
	v55 =	vld [tilespmem:$0xAFF0];
	v7 =	vand.u32 $0xFFFF0000, v49;
	v4 =	vadd.f32 v48, v4;
	v5 =	vadd.f32 v10, v5  }
0xbd: {  	s21 =	sand.u32 $0x3FFFFF80, s21;
	v53 =	vshll.u32 v45, $0x10;
	v6 =	vadd.f32 v50, v6;
	v7 =	vadd.f32 v7, v8  }
0xbe: {  	v11 =	vand.u32 $0xFFFF0000, v45;
	v0 =	vadd.f32 v53, v0;
	v4 =	vadd.f32 v54, v4;
	[tilespmem:s21+$0xC840] =	vst v5  }
0xbf: {  	s20 =	sadd.s32 $0x1, s20;
	v57 =	vshll.u32 v51, $0x10;
	v1 =	vadd.f32 v11, v1;
	v6 =	vadd.f32 v56, v6;
	[tilespmem:s21+$0xC850] =	vst v7  }
0xc0: {  	p0 =	sne.s32 s20, $0x40;
	v58 =	vand.u32 $0xFFFF0000, v51;
	v3 =	vadd.f32 v57, v3;
	v0 =	vadd.f32 v59, v0;
	[tilespmem:s21+$0xC800] =	vst v4  }
.Ltmp2:
0xc1: {  	v61 =	vshll.u32 v55, $0x10;
	v2 =	vadd.f32 v58, v2;
	v1 =	vadd.f32 v60, v1;
	[tilespmem:s21+$0xC810] =	vst v6;
	(pc) =	sbr.rel @p0 .LBB2_2-.Ltmp2, $4  }
0xc2: {  	v62 =	vand.u32 $0xFFFF0000, v55;
	v3 =	vadd.f32 v61, v3;
	[tilespmem:s21+$0xC820] =	vst v0  }
0xc3: {  	v63 =	vadd.f32 v62, v2;
	[tilespmem:s21+$0xC860] =	vst v1  }
0xc4: {  	[tilespmem:s21+$0xC830] =	vst v3  }
0xc5: {  	[tilespmem:s21+$0xC870] =	vst v63  }
0xc6: {  	s19 =	sadd.s32 $0x1, s19  }
0xc7: {  	p0 =	sne.s32 s19, s6  }
.Ltmp3:
0xc8: {  	_ = 	snop;
	(pc) =	sbr.rel @p0 .LBB2_1-.Ltmp3, $4  }
0xc9: {  	[hbm4b:s5+s2] =	stream.linear.scatter [tilespmem:s18], [sflag:$0x5], $0x4000, $0x38;
	[tilespmem:$0x10800] =	vst v63  }
0xca: {  	_ =	swait.ge [sflag:s7], $0x4000  }
0xcb: {  	[sflag:s7] =	ssyncset.done $0x0  }
0xcc: {  	[sflag:s7] =	ssyncadd.s32 $0xFFFFC000  }
0xcd: {  	_ =	sfence.sel $0x180000  }
0xce: {  	[bflag:$0x0] =	sbarrier.arrive $0xFFFF  }
0xcf: {  	p0 =	sne.s32 s0, $0x0;
	_ =	strace $0x90000047  }
0xd0: {  	s0 =	sadd.s32 @!p0 $0x100000, s1;
	[bflag:$0x2] =	sbarrier.arrive $0xFFFF  }
0xd1: {  	[sflag:s0] =	ssyncadd.tile.s32 @!p0 $0x1;
	_ =	shalt  }
.Lfunc_end2:
_tile_overlayer_lowered:
.L_overlay_start_2:
0xd2: {  	(tag) =	ssettag $0x2  }
0xd3: {  	s0 =	rddreg [dreg:$0x0];
	s2 =	stileid.u32  }
0xd4: {  	s1 =	rddreg [dreg:$0x1];
	p0 =	sne.s32 s2, $0x0  }
0xd5: {  	s3 =	rddreg [dreg:$0x2];
	[bflag:$0x3] =	sbarrier.arrive $0xFFFF;
	s2 =	simm.s32 @!p0 $0x1C05  }
0xd6: {  	[timem:s3], [sflag:s2] =	dma.local @!p0 [hbm:s0], s1  }
0xd7: {  	s0 =	simm.s32 @!p0 $0x5  }
0xd8: {  	_ =	swait.ge @!p0 [sflag:s0], s1  }
0xd9: {  	s1 =	ssub.s32 @!p0 $0x0, s1;
	[sflag:s0] =	ssyncset.done @!p0 $0x0  }
0xda: {  	[sflag:s0] =	ssyncadd.s32 @!p0 s1  }
0xdb: {  	[bflag:$0x3] =	sbarrier.arrive $0xFFFF  }
0xdc: {  	_ =	shalt  }

</sc_bundles>
